<compile_context>
chip_gen: v7x
topology: tpu7x:2x2x1
jax: 0.10.2.dev20260603
libtpu: 0.0.44.dev20260713+nightly
codegen_flags: <defaults>
</compile_context>

<pallas_src>
import jax
import jax.numpy as jnp
from jax import lax
from jax.experimental import pallas as pl
from jax.experimental.pallas import tpu as pltpu
from jax.experimental.pallas import tpu_sc as plsc

D = 128
LANES = 16
NSC = 2
NSUB = 16
NW = NSC * NSUB
CHUNK = 112

N1T = 5000
N2T = 1024


def _make_sc_agg(n_pad, groups, rows_per_tile):
  assert rows_per_tile * NSUB == n_pad and groups % 2 == 0

  def body(tab_hbm, src_hbm, dst_hbm, acc_hbm, cnt_hbm,
           acc_sh, cnt_sh, sidx0, sidx1, didx0, didx1, rows0, rows1,
           ones_v, gsem0, gsem1):
    c = lax.axis_index("c")
    s = lax.axis_index("s")
    wid = c * NSUB + s
    sidx = (sidx0, sidx1)
    didx = (didx0, didx1)
    rows = (rows0, rows1)
    gsem = (gsem0, gsem1)

    zrow = jnp.zeros((LANES,), jnp.float32)
    one = jnp.ones((LANES,), jnp.float32)

    @pl.loop(0, CHUNK)
    def _(i):
      @pl.loop(0, D // LANES)
      def _(j):
        rows0[i, pl.ds(j * LANES, LANES)] = zrow
        ones_v[i, pl.ds(j * LANES, LANES)] = one

    base_r = s * rows_per_tile
    off = 0
    left = rows_per_tile
    while left > 0:
      n = min(left, CHUNK)
      pltpu.sync_copy(rows0.at[pl.ds(0, n)], acc_sh.at[pl.ds(base_r + off, n)])
      pltpu.sync_copy(rows0.at[pl.ds(0, n)], cnt_sh.at[pl.ds(base_r + off, n)])
      off += n
      left -= n

    plsc.subcore_barrier()

    ebase = wid * groups * CHUNK

    pltpu.sync_copy(src_hbm.at[pl.ds(ebase, CHUNK)], sidx0)
    pltpu.sync_copy(dst_hbm.at[pl.ds(ebase, CHUNK)], didx0)
    pltpu.async_copy(tab_hbm.at[sidx0], rows0, gsem0)

    @pl.loop(0, groups // 2)
    def _(t):
      for b in (0, 1):
        g = 2 * t + b
        nb = 1 - b

        @pl.when(g + 1 < groups)
        def _():
          nbase = ebase + (g + 1) * CHUNK
          pltpu.sync_copy(src_hbm.at[pl.ds(nbase, CHUNK)], sidx[nb])
          pltpu.sync_copy(dst_hbm.at[pl.ds(nbase, CHUNK)], didx[nb])
          pltpu.async_copy(tab_hbm.at[sidx[nb]], rows[nb], gsem[nb])

        pltpu.make_async_copy(tab_hbm.at[sidx[b]], rows[b], gsem[b]).wait()
        pltpu.sync_copy(rows[b], acc_sh.at[didx[b]], add=True)
        pltpu.sync_copy(ones_v, cnt_sh.at[didx[b]], add=True)

    plsc.subcore_barrier()

    pltpu.sync_copy(acc_sh.at[pl.ds(base_r, rows_per_tile)],
                    acc_hbm.at[c, pl.ds(base_r, rows_per_tile)])
    pltpu.sync_copy(cnt_sh.at[pl.ds(base_r, rows_per_tile)],
                    cnt_hbm.at[c, pl.ds(base_r, rows_per_tile)])

  return pl.kernel(
      body,
      out_type=[jax.ShapeDtypeStruct((NSC, n_pad, D), jnp.float32),
                jax.ShapeDtypeStruct((NSC, n_pad, D), jnp.float32)],
      mesh=plsc.VectorSubcoreMesh(core_axis_name="c", subcore_axis_name="s",
                                  num_cores=NSC, num_subcores=NSUB),
      scratch_types=[
          pltpu.VMEM_SHARED((n_pad, D), jnp.float32),
          pltpu.VMEM_SHARED((n_pad, D), jnp.float32),
          pltpu.VMEM((CHUNK,), jnp.int32),
          pltpu.VMEM((CHUNK,), jnp.int32),
          pltpu.VMEM((CHUNK,), jnp.int32),
          pltpu.VMEM((CHUNK,), jnp.int32),
          pltpu.VMEM((CHUNK, D), jnp.float32),
          pltpu.VMEM((CHUNK, D), jnp.float32),
          pltpu.VMEM((CHUNK, D), jnp.float32),
          pltpu.SemaphoreType.DMA,
          pltpu.SemaphoreType.DMA,
      ],
  )


_G1 = 90
_PAD_N1 = 5120
_AGG1 = _make_sc_agg(_PAD_N1, _G1, _PAD_N1 // NSUB)
_G2 = 46
_PAD_N2 = 1152
_AGG2 = _make_sc_agg(_PAD_N2, _G2, _PAD_N2 // NSUB)


def _dense(p, cnt, x_tgt, wlT, b, wrT, n_rows, blk, last):

  def body(p_ref, c_ref, x_ref, wl_ref, b_ref, wr_ref, o_ref):
    cnt_col = jnp.maximum(c_ref[0, :, 0:1] + c_ref[1, :, 0:1], 1.0)
    mean = (p_ref[0] + p_ref[1]) / cnt_col
    z = (jnp.dot(mean, wl_ref[...], preferred_element_type=jnp.float32)
         + b_ref[...]
         + jnp.dot(x_ref[...], wr_ref[...], preferred_element_type=jnp.float32))
    if last:
      m = jnp.max(z, axis=-1, keepdims=True)
      lse = jnp.log(jnp.sum(jnp.exp(z - m), axis=-1, keepdims=True)) + m
      o_ref[...] = z - lse
    else:
      o_ref[...] = jnp.maximum(z, 0.0)

  return pl.pallas_call(
      body,
      grid=(n_rows // blk,),
      in_specs=[
          pl.BlockSpec((NSC, blk, D), lambda i: (0, i, 0)),
          pl.BlockSpec((NSC, blk, D), lambda i: (0, i, 0)),
          pl.BlockSpec((blk, D), lambda i: (i, 0)),
          pl.BlockSpec((D, D), lambda i: (0, 0)),
          pl.BlockSpec((1, D), lambda i: (0, 0)),
          pl.BlockSpec((D, D), lambda i: (0, 0)),
      ],
      out_specs=pl.BlockSpec((blk, D), lambda i: (i, 0)),
      out_shape=jax.ShapeDtypeStruct((n_rows, D), jnp.float32),
  )(p, cnt, x_tgt, wlT, b, wrT)


def _pad_edges(edge_index, n_pad_edges, sink, n_sink):
  src = edge_index[0].astype(jnp.int32)
  dst = edge_index[1].astype(jnp.int32)
  pad = n_pad_edges - src.shape[0]
  i = jnp.arange(pad, dtype=jnp.int32)
  src = jnp.concatenate([src, i % sink])
  dst = jnp.concatenate([dst, sink + i % n_sink])
  return src, dst


def kernel(x, edge_index1, edge_index2, n1, n2, W_l1, b_l1, W_r1, W_l2, b_l2, W_r2):
  src1, dst1 = _pad_edges(edge_index1, NW * CHUNK * _G1, N1T, _PAD_N1 - N1T)
  src2, dst2 = _pad_edges(edge_index2, NW * CHUNK * _G2, N2T, _PAD_N2 - N2T)

  acc1, cnt1 = _AGG1(x, src1, dst1)
  x_tgt = lax.dynamic_slice_in_dim(x, n1 - N1T, N1T, axis=0)
  h = _dense(acc1, cnt1, x_tgt, W_l1.T, b_l1.reshape(1, D), W_r1.T,
             N1T, 1000, last=False)

  acc2, cnt2 = _AGG2(h, src2, dst2)
  h_tgt = lax.dynamic_slice_in_dim(h, n2 - N2T, N2T, axis=0)
  return _dense(acc2, cnt2, h_tgt, W_l2.T, b_l2.reshape(1, D), W_r2.T,
                N2T, N2T, last=True)

# --- scband reference (transcript-rebuilt; emitter-appended) ---
"""Pipeline reference for scband-sage-36344013259382 (READ-ONLY COPY).

The authoritative reference and input builder live on the scoring server;
editing this copy changes nothing except your own understanding.
"""

import jax, jax.numpy as jnp
import numpy as np

D = 128
N0 = 10000
N1 = 5000
N2 = 1024
E1 = 320000
E2 = 160000


def setup_inputs(seed: int = 0) -> dict:
    key = jax.random.key(seed)
    ks = jax.random.split(key, 10)
    x = jax.random.normal(ks[0], (N0, D), dtype=jnp.float32)
    # layer 1 bipartite edges: src in [0, N0) conceptually (we draw < N1 which is in-range), dst in [0, N1)
    edge_index1 = jax.random.randint(ks[1], (2, E1), 0, N1, dtype=jnp.int64)
    # layer 2 bipartite edges: src in [0, N1), dst in [0, N2) (drawn < N2, in-range for both)
    edge_index2 = jax.random.randint(ks[2], (2, E2), 0, N2, dtype=jnp.int64)
    # SAGEConv params: lin_l (on aggregated neighbors, with bias) and lin_r (on target/root, no bias)
    s = 1.0 / np.sqrt(D)
    W_l1 = jax.random.uniform(ks[3], (D, D), jnp.float32, -s, s)
    b_l1 = jnp.zeros((D,), jnp.float32)
    W_r1 = jax.random.uniform(ks[4], (D, D), jnp.float32, -s, s)
    W_l2 = jax.random.uniform(ks[5], (D, D), jnp.float32, -s, s)
    b_l2 = jnp.zeros((D,), jnp.float32)
    W_r2 = jax.random.uniform(ks[6], (D, D), jnp.float32, -s, s)
    return {
        "x": x,
        "edge_index1": edge_index1,
        "edge_index2": edge_index2,
        "n1": N1,
        "n2": N2,
        "W_l1": W_l1, "b_l1": b_l1, "W_r1": W_r1,
        "W_l2": W_l2, "b_l2": b_l2, "W_r2": W_r2,
    }


def _sage_conv(x_src, x_tgt, edge_index, W_l, b_l, W_r):
    src = edge_index[0]
    dst = edge_index[1]
    n_tgt = x_tgt.shape[0]
    msgs = jnp.take(x_src, src, axis=0)                      # gather (SparseCore)
    summed = jax.ops.segment_sum(msgs, dst, num_segments=n_tgt)  # scatter-add
    cnt = jax.ops.segment_sum(jnp.ones((msgs.shape[0],), jnp.float32), dst, num_segments=n_tgt)
    mean = summed / jnp.clip(cnt, 1.0, None)[:, None]
    return mean @ W_l.T + b_l + x_tgt @ W_r.T


def reference(x, edge_index1, edge_index2, n1, n2, W_l1, b_l1, W_r1, W_l2, b_l2, W_r2):
    # layer 1
    x_tgt = jax.lax.dynamic_slice_in_dim(x, n1 - N1, N1, axis=0)
    h = _sage_conv(x, x_tgt, edge_index1, W_l1, b_l1, W_r1)
    h = jax.nn.relu(h)
    # (dropout omitted for deterministic reference; p=0.5 in training mode in original)
    # layer 2
    h_tgt = jax.lax.dynamic_slice_in_dim(h, n2 - N2, N2, axis=0)
    out = _sage_conv(h, h_tgt, edge_index2, W_l2, b_l2, W_r2)
    return jax.nn.log_softmax(out, axis=-1)

if __name__ == "__main__":
    import jax
    _d = setup_inputs()
    print(jax.jit(kernel)(*tuple(_d.values())))

</pallas_src>

<mosaic_0001>
#map = affine_map<(d0, d1) -> (0, 0)>
#map1 = affine_map<(d0, d1) -> (0)>
#map2 = affine_map<(d0, d1) -> (0, 0, 0)>
module attributes {stable_mosaic.version = 14 : i64} {
  func.func @body(%arg0: i32, %arg1: i32, %arg2: memref<10000x128xf32, #tpu.memory_space<hbm>>, %arg3: memref<322560xi32, #tpu.memory_space<hbm>>, %arg4: memref<322560xi32, #tpu.memory_space<hbm>>, %arg5: memref<2x5120x128xf32, #tpu.memory_space<hbm>>, %arg6: memref<2x5120x128xf32, #tpu.memory_space<hbm>>, %arg7: memref<5120x128xf32, #tpu.memory_space<vmem_shared>>, %arg8: memref<5120x128xf32, #tpu.memory_space<vmem_shared>>, %arg9: memref<112xi32, #tpu.memory_space<vmem>>, %arg10: memref<112xi32, #tpu.memory_space<vmem>>, %arg11: memref<112xi32, #tpu.memory_space<vmem>>, %arg12: memref<112xi32, #tpu.memory_space<vmem>>, %arg13: memref<112x128xf32, #tpu.memory_space<vmem>>, %arg14: memref<112x128xf32, #tpu.memory_space<vmem>>, %arg15: memref<112x128xf32, #tpu.memory_space<vmem>>, %arg16: memref<!tpu.dma_semaphore, #tpu.memory_space<semaphore_mem>>, %arg17: memref<!tpu.dma_semaphore, #tpu.memory_space<semaphore_mem>>) attributes {dimension_semantics = [#tpu.dimension_semantics<core_parallel>, #tpu.dimension_semantics<subcore_parallel>], iteration_bounds = array<i64: 2, 16>, scalar_prefetch = 0 : i64, scratch_operands = 11 : i64, tpu.core_type = #tpu.core_type<sc_vector_subcore>, window_params = [{transform_indices = #map}, {transform_indices = #map1}, {transform_indices = #map1}, {transform_indices = #map2}, {transform_indices = #map2}]} {
    %mul3A = arith.constant 16 : i32
    %mul3A_0 = arith.muli %arg0, %mul3A : i32
    %add3A = arith.addi %mul3A_0, %arg1 : i32
    %broadcast_in_dim3A = arith.constant 0.000000e+00 : f32
    %broadcast_in_dim3A_1 = vector.broadcast %broadcast_in_dim3A : f32 to vector<16xf32>
    %broadcast_in_dim3A_2 = arith.constant 1.000000e+00 : f32
    %broadcast_in_dim3A_3 = vector.broadcast %broadcast_in_dim3A_2 : f32 to vector<16xf32>
    %scan3A = arith.constant 0 : i32
    %scan3A_4 = arith.constant 112 : i32
    %scan3A_5 = arith.addi %scan3A, %scan3A_4 : i32
    %scan3A_6 = arith.constant 1 : i32
    scf.for %scan3A_34 = %scan3A to %scan3A_5 step %scan3A_6  : i32 {
      %mul3A_35 = arith.constant 1 : i32
      %mul3A_36 = arith.muli %scan3A_34, %mul3A_35 : i32
      %add3A_37 = arith.constant 0 : i32
      %add3A_38 = arith.addi %add3A_37, %mul3A_36 : i32
      %scan3A_39 = arith.constant 0 : i32
      %scan3A_40 = arith.constant 8 : i32
      %scan3A_41 = arith.addi %scan3A_39, %scan3A_40 : i32
      %scan3A_42 = arith.constant 1 : i32
      scf.for %scan3A_44 = %scan3A_39 to %scan3A_41 step %scan3A_42  : i32 {
        %mul3A_45 = arith.constant 1 : i32
        %mul3A_46 = arith.muli %scan3A_44, %mul3A_45 : i32
        %add3A_47 = arith.constant 0 : i32
        %add3A_48 = arith.addi %add3A_47, %mul3A_46 : i32
        %mul3A_49 = arith.constant 16 : i32
        %mul3A_50 = arith.muli %add3A_48, %mul3A_49 : i32
        %swap3A = arith.index_cast %add3A_38 : i32 to index
        %swap3A_51 = arith.index_cast %mul3A_50 : i32 to index
        %swap3A_52 = tpu.vector_load %arg13[%swap3A, %swap3A_51] {strides = array<i32>} : memref<112x128xf32, #tpu.memory_space<vmem>>, vector<1x16xf32>,
        %swap3A_53 = vector.shape_cast %swap3A_52 : vector<1x16xf32> to vector<16xf32>
        %swap3A_54 = vector.shape_cast %broadcast_in_dim3A_1 : vector<16xf32> to vector<1x16xf32>
        tpu.vector_store %arg13[%swap3A, %swap3A_51], %swap3A_54 {strides = array<i32>} : memref<112x128xf32, #tpu.memory_space<vmem>>, vector<1x16xf32>,
        %mul3A_55 = arith.constant 16 : i32
        %mul3A_56 = arith.muli %add3A_48, %mul3A_55 : i32
        %swap3A_57 = arith.index_cast %add3A_38 : i32 to index
        %swap3A_58 = arith.index_cast %mul3A_56 : i32 to index
        %swap3A_59 = tpu.vector_load %arg15[%swap3A_57, %swap3A_58] {strides = array<i32>} : memref<112x128xf32, #tpu.memory_space<vmem>>, vector<1x16xf32>,
        %swap3A_60 = vector.shape_cast %swap3A_59 : vector<1x16xf32> to vector<16xf32>
        %swap3A_61 = vector.shape_cast %broadcast_in_dim3A_3 : vector<16xf32> to vector<1x16xf32>
        tpu.vector_store %arg15[%swap3A_57, %swap3A_58], %swap3A_61 {strides = array<i32>} : memref<112x128xf32, #tpu.memory_space<vmem>>, vector<1x16xf32>,
      }
      %scan3A_43 = arith.constant 8 : i32
    }
    %scan3A_7 = arith.constant 112 : i32
    %mul3A_8 = arith.constant 320 : i32
    %mul3A_9 = arith.muli %arg1, %mul3A_8 : i32
    %add3A_10 = arith.constant 0 : i32
    %add3A_11 = arith.addi %mul3A_9, %add3A_10 : i32
    "tpu.region"() ({
      %run_scoped3A = tpu.sem_alloc : memref<!tpu.dma_semaphore, #tpu.memory_space<semaphore_mem>>
      %dma_start3A_34 = arith.constant 0 : i32
      %dma_start3A_35 = arith.constant 0 : i32
      %dma_start3A_36 = tpu.memref_slice %arg13[%dma_start3A_34, %dma_start3A_35] : memref<112x128xf32, #tpu.memory_space<vmem>> -> memref<112x128xf32, #tpu.memory_space<vmem>>
      %dma_start3A_37 = arith.constant 0 : i32
      %dma_start3A_38 = tpu.memref_slice %arg7[%add3A_11, %dma_start3A_37] : memref<5120x128xf32, #tpu.memory_space<vmem_shared>> -> memref<112x128xf32, #tpu.memory_space<vmem_shared>>
      %dma_start3A_39 = arith.constant 0 : i32
      %dma_start3A_40 = tpu.memref_slice %arg7[%add3A_11, %dma_start3A_39] : memref<5120x128xf32, #tpu.memory_space<vmem_shared>> -> memref<112x128xf32, #tpu.memory_space<vmem_shared>>
      %dma_start3A_41 = arith.constant 0 : i32
      %dma_start3A_42 = arith.constant 0 : i32
      %dma_start3A_43 = tpu.memref_slice %arg13[%dma_start3A_41, %dma_start3A_42] : memref<112x128xf32, #tpu.memory_space<vmem>> -> memref<112x128xf32, #tpu.memory_space<vmem>>
      tpu.enqueue_dma source(%dma_start3A_43 : memref<112x128xf32, #tpu.memory_space<vmem>>) target(%dma_start3A_40 : memref<112x128xf32, #tpu.memory_space<vmem_shared>>) target_semaphore(%run_scoped3A : memref<!tpu.dma_semaphore, #tpu.memory_space<semaphore_mem>>)
      %dma_wait3A = arith.constant 0 : i32
      %dma_wait3A_44 = arith.constant 0 : i32
      %dma_wait3A_45 = tpu.memref_slice %arg13[%dma_wait3A, %dma_wait3A_44] : memref<112x128xf32, #tpu.memory_space<vmem>> -> memref<112x128xf32, #tpu.memory_space<vmem>>
      %dma_wait3A_46 = arith.constant 0 : i32
      %dma_wait3A_47 = tpu.memref_slice %arg7[%add3A_11, %dma_wait3A_46] : memref<5120x128xf32, #tpu.memory_space<vmem_shared>> -> memref<112x128xf32, #tpu.memory_space<vmem_shared>>
      %dma_wait3A_48 = arith.constant 0 : i32
      %dma_wait3A_49 = tpu.memref_slice %arg7[%add3A_11, %dma_wait3A_48] : memref<5120x128xf32, #tpu.memory_space<vmem_shared>> -> memref<112x128xf32, #tpu.memory_space<vmem_shared>>
      %dma_wait3A_50 = arith.constant 0 : i32
      %dma_wait3A_51 = arith.constant 0 : i32
      %dma_wait3A_52 = tpu.memref_slice %arg13[%dma_wait3A_50, %dma_wait3A_51] : memref<112x128xf32, #tpu.memory_space<vmem>> -> memref<112x128xf32, #tpu.memory_space<vmem>>
      tpu.wait_dma2 semaphore(%run_scoped3A : memref<!tpu.dma_semaphore, #tpu.memory_space<semaphore_mem>>) src(%dma_wait3A_52 : memref<112x128xf32, #tpu.memory_space<vmem>>) dst(%dma_wait3A_49 : memref<112x128xf32, #tpu.memory_space<vmem_shared>>)
      tpu.yield
    }) : () -> ()
    %add3A_12 = arith.constant 0 : i32
    %add3A_13 = arith.addi %mul3A_9, %add3A_12 : i32
    "tpu.region"() ({
      %run_scoped3A = tpu.sem_alloc : memref<!tpu.dma_semaphore, #tpu.memory_space<semaphore_mem>>
      %dma_start3A_34 = arith.constant 0 : i32
      %dma_start3A_35 = arith.constant 0 : i32
      %dma_start3A_36 = tpu.memref_slice %arg13[%dma_start3A_34, %dma_start3A_35] : memref<112x128xf32, #tpu.memory_space<vmem>> -> memref<112x128xf32, #tpu.memory_space<vmem>>
      %dma_start3A_37 = arith.constant 0 : i32
      %dma_start3A_38 = tpu.memref_slice %arg8[%add3A_13, %dma_start3A_37] : memref<5120x128xf32, #tpu.memory_space<vmem_shared>> -> memref<112x128xf32, #tpu.memory_space<vmem_shared>>
      %dma_start3A_39 = arith.constant 0 : i32
      %dma_start3A_40 = tpu.memref_slice %arg8[%add3A_13, %dma_start3A_39] : memref<5120x128xf32, #tpu.memory_space<vmem_shared>> -> memref<112x128xf32, #tpu.memory_space<vmem_shared>>
      %dma_start3A_41 = arith.constant 0 : i32
      %dma_start3A_42 = arith.constant 0 : i32
      %dma_start3A_43 = tpu.memref_slice %arg13[%dma_start3A_41, %dma_start3A_42] : memref<112x128xf32, #tpu.memory_space<vmem>> -> memref<112x128xf32, #tpu.memory_space<vmem>>
      tpu.enqueue_dma source(%dma_start3A_43 : memref<112x128xf32, #tpu.memory_space<vmem>>) target(%dma_start3A_40 : memref<112x128xf32, #tpu.memory_space<vmem_shared>>) target_semaphore(%run_scoped3A : memref<!tpu.dma_semaphore, #tpu.memory_space<semaphore_mem>>)
      %dma_wait3A = arith.constant 0 : i32
      %dma_wait3A_44 = arith.constant 0 : i32
      %dma_wait3A_45 = tpu.memref_slice %arg13[%dma_wait3A, %dma_wait3A_44] : memref<112x128xf32, #tpu.memory_space<vmem>> -> memref<112x128xf32, #tpu.memory_space<vmem>>
      %dma_wait3A_46 = arith.constant 0 : i32
      %dma_wait3A_47 = tpu.memref_slice %arg8[%add3A_13, %dma_wait3A_46] : memref<5120x128xf32, #tpu.memory_space<vmem_shared>> -> memref<112x128xf32, #tpu.memory_space<vmem_shared>>
      %dma_wait3A_48 = arith.constant 0 : i32
      %dma_wait3A_49 = tpu.memref_slice %arg8[%add3A_13, %dma_wait3A_48] : memref<5120x128xf32, #tpu.memory_space<vmem_shared>> -> memref<112x128xf32, #tpu.memory_space<vmem_shared>>
      %dma_wait3A_50 = arith.constant 0 : i32
      %dma_wait3A_51 = arith.constant 0 : i32
      %dma_wait3A_52 = tpu.memref_slice %arg13[%dma_wait3A_50, %dma_wait3A_51] : memref<112x128xf32, #tpu.memory_space<vmem>> -> memref<112x128xf32, #tpu.memory_space<vmem>>
      tpu.wait_dma2 semaphore(%run_scoped3A : memref<!tpu.dma_semaphore, #tpu.memory_space<semaphore_mem>>) src(%dma_wait3A_52 : memref<112x128xf32, #tpu.memory_space<vmem>>) dst(%dma_wait3A_49 : memref<112x128xf32, #tpu.memory_space<vmem_shared>>)
      tpu.yield
    }) : () -> ()
    %add3A_14 = arith.constant 112 : i32
    %add3A_15 = arith.addi %mul3A_9, %add3A_14 : i32
    "tpu.region"() ({
      %run_scoped3A = tpu.sem_alloc : memref<!tpu.dma_semaphore, #tpu.memory_space<semaphore_mem>>
      %dma_start3A_34 = arith.constant 0 : i32
      %dma_start3A_35 = arith.constant 0 : i32
      %dma_start3A_36 = tpu.memref_slice %arg13[%dma_start3A_34, %dma_start3A_35] : memref<112x128xf32, #tpu.memory_space<vmem>> -> memref<112x128xf32, #tpu.memory_space<vmem>>
      %dma_start3A_37 = arith.constant 0 : i32
      %dma_start3A_38 = tpu.memref_slice %arg7[%add3A_15, %dma_start3A_37] : memref<5120x128xf32, #tpu.memory_space<vmem_shared>> -> memref<112x128xf32, #tpu.memory_space<vmem_shared>>
      %dma_start3A_39 = arith.constant 0 : i32
      %dma_start3A_40 = tpu.memref_slice %arg7[%add3A_15, %dma_start3A_39] : memref<5120x128xf32, #tpu.memory_space<vmem_shared>> -> memref<112x128xf32, #tpu.memory_space<vmem_shared>>
      %dma_start3A_41 = arith.constant 0 : i32
      %dma_start3A_42 = arith.constant 0 : i32
      %dma_start3A_43 = tpu.memref_slice %arg13[%dma_start3A_41, %dma_start3A_42] : memref<112x128xf32, #tpu.memory_space<vmem>> -> memref<112x128xf32, #tpu.memory_space<vmem>>
      tpu.enqueue_dma source(%dma_start3A_43 : memref<112x128xf32, #tpu.memory_space<vmem>>) target(%dma_start3A_40 : memref<112x128xf32, #tpu.memory_space<vmem_shared>>) target_semaphore(%run_scoped3A : memref<!tpu.dma_semaphore, #tpu.memory_space<semaphore_mem>>)
      %dma_wait3A = arith.constant 0 : i32
      %dma_wait3A_44 = arith.constant 0 : i32
      %dma_wait3A_45 = tpu.memref_slice %arg13[%dma_wait3A, %dma_wait3A_44] : memref<112x128xf32, #tpu.memory_space<vmem>> -> memref<112x128xf32, #tpu.memory_space<vmem>>
      %dma_wait3A_46 = arith.constant 0 : i32
      %dma_wait3A_47 = tpu.memref_slice %arg7[%add3A_15, %dma_wait3A_46] : memref<5120x128xf32, #tpu.memory_space<vmem_shared>> -> memref<112x128xf32, #tpu.memory_space<vmem_shared>>
      %dma_wait3A_48 = arith.constant 0 : i32
      %dma_wait3A_49 = tpu.memref_slice %arg7[%add3A_15, %dma_wait3A_48] : memref<5120x128xf32, #tpu.memory_space<vmem_shared>> -> memref<112x128xf32, #tpu.memory_space<vmem_shared>>
      %dma_wait3A_50 = arith.constant 0 : i32
      %dma_wait3A_51 = arith.constant 0 : i32
      %dma_wait3A_52 = tpu.memref_slice %arg13[%dma_wait3A_50, %dma_wait3A_51] : memref<112x128xf32, #tpu.memory_space<vmem>> -> memref<112x128xf32, #tpu.memory_space<vmem>>
      tpu.wait_dma2 semaphore(%run_scoped3A : memref<!tpu.dma_semaphore, #tpu.memory_space<semaphore_mem>>) src(%dma_wait3A_52 : memref<112x128xf32, #tpu.memory_space<vmem>>) dst(%dma_wait3A_49 : memref<112x128xf32, #tpu.memory_space<vmem_shared>>)
      tpu.yield
    }) : () -> ()
    %add3A_16 = arith.constant 112 : i32
    %add3A_17 = arith.addi %mul3A_9, %add3A_16 : i32
    "tpu.region"() ({
      %run_scoped3A = tpu.sem_alloc : memref<!tpu.dma_semaphore, #tpu.memory_space<semaphore_mem>>
      %dma_start3A_34 = arith.constant 0 : i32
      %dma_start3A_35 = arith.constant 0 : i32
      %dma_start3A_36 = tpu.memref_slice %arg13[%dma_start3A_34, %dma_start3A_35] : memref<112x128xf32, #tpu.memory_space<vmem>> -> memref<112x128xf32, #tpu.memory_space<vmem>>
      %dma_start3A_37 = arith.constant 0 : i32
      %dma_start3A_38 = tpu.memref_slice %arg8[%add3A_17, %dma_start3A_37] : memref<5120x128xf32, #tpu.memory_space<vmem_shared>> -> memref<112x128xf32, #tpu.memory_space<vmem_shared>>
      %dma_start3A_39 = arith.constant 0 : i32
      %dma_start3A_40 = tpu.memref_slice %arg8[%add3A_17, %dma_start3A_39] : memref<5120x128xf32, #tpu.memory_space<vmem_shared>> -> memref<112x128xf32, #tpu.memory_space<vmem_shared>>
      %dma_start3A_41 = arith.constant 0 : i32
      %dma_start3A_42 = arith.constant 0 : i32
      %dma_start3A_43 = tpu.memref_slice %arg13[%dma_start3A_41, %dma_start3A_42] : memref<112x128xf32, #tpu.memory_space<vmem>> -> memref<112x128xf32, #tpu.memory_space<vmem>>
      tpu.enqueue_dma source(%dma_start3A_43 : memref<112x128xf32, #tpu.memory_space<vmem>>) target(%dma_start3A_40 : memref<112x128xf32, #tpu.memory_space<vmem_shared>>) target_semaphore(%run_scoped3A : memref<!tpu.dma_semaphore, #tpu.memory_space<semaphore_mem>>)
      %dma_wait3A = arith.constant 0 : i32
      %dma_wait3A_44 = arith.constant 0 : i32
      %dma_wait3A_45 = tpu.memref_slice %arg13[%dma_wait3A, %dma_wait3A_44] : memref<112x128xf32, #tpu.memory_space<vmem>> -> memref<112x128xf32, #tpu.memory_space<vmem>>
      %dma_wait3A_46 = arith.constant 0 : i32
      %dma_wait3A_47 = tpu.memref_slice %arg8[%add3A_17, %dma_wait3A_46] : memref<5120x128xf32, #tpu.memory_space<vmem_shared>> -> memref<112x128xf32, #tpu.memory_space<vmem_shared>>
      %dma_wait3A_48 = arith.constant 0 : i32
      %dma_wait3A_49 = tpu.memref_slice %arg8[%add3A_17, %dma_wait3A_48] : memref<5120x128xf32, #tpu.memory_space<vmem_shared>> -> memref<112x128xf32, #tpu.memory_space<vmem_shared>>
      %dma_wait3A_50 = arith.constant 0 : i32
      %dma_wait3A_51 = arith.constant 0 : i32
      %dma_wait3A_52 = tpu.memref_slice %arg13[%dma_wait3A_50, %dma_wait3A_51] : memref<112x128xf32, #tpu.memory_space<vmem>> -> memref<112x128xf32, #tpu.memory_space<vmem>>
      tpu.wait_dma2 semaphore(%run_scoped3A : memref<!tpu.dma_semaphore, #tpu.memory_space<semaphore_mem>>) src(%dma_wait3A_52 : memref<112x128xf32, #tpu.memory_space<vmem>>) dst(%dma_wait3A_49 : memref<112x128xf32, #tpu.memory_space<vmem_shared>>)
      tpu.yield
    }) : () -> ()
    %add3A_18 = arith.constant 224 : i32
    %add3A_19 = arith.addi %mul3A_9, %add3A_18 : i32
    "tpu.region"() ({
      %run_scoped3A = tpu.sem_alloc : memref<!tpu.dma_semaphore, #tpu.memory_space<semaphore_mem>>
      %dma_start3A_34 = arith.constant 0 : i32
      %dma_start3A_35 = arith.constant 0 : i32
      %dma_start3A_36 = tpu.memref_slice %arg13[%dma_start3A_34, %dma_start3A_35] : memref<112x128xf32, #tpu.memory_space<vmem>> -> memref<96x128xf32, #tpu.memory_space<vmem>>
      %dma_start3A_37 = arith.constant 0 : i32
      %dma_start3A_38 = tpu.memref_slice %arg7[%add3A_19, %dma_start3A_37] : memref<5120x128xf32, #tpu.memory_space<vmem_shared>> -> memref<96x128xf32, #tpu.memory_space<vmem_shared>>
      %dma_start3A_39 = arith.constant 0 : i32
      %dma_start3A_40 = tpu.memref_slice %arg7[%add3A_19, %dma_start3A_39] : memref<5120x128xf32, #tpu.memory_space<vmem_shared>> -> memref<96x128xf32, #tpu.memory_space<vmem_shared>>
      %dma_start3A_41 = arith.constant 0 : i32
      %dma_start3A_42 = arith.constant 0 : i32
      %dma_start3A_43 = tpu.memref_slice %arg13[%dma_start3A_41, %dma_start3A_42] : memref<112x128xf32, #tpu.memory_space<vmem>> -> memref<96x128xf32, #tpu.memory_space<vmem>>
      tpu.enqueue_dma source(%dma_start3A_43 : memref<96x128xf32, #tpu.memory_space<vmem>>) target(%dma_start3A_40 : memref<96x128xf32, #tpu.memory_space<vmem_shared>>) target_semaphore(%run_scoped3A : memref<!tpu.dma_semaphore, #tpu.memory_space<semaphore_mem>>)
      %dma_wait3A = arith.constant 0 : i32
      %dma_wait3A_44 = arith.constant 0 : i32
      %dma_wait3A_45 = tpu.memref_slice %arg13[%dma_wait3A, %dma_wait3A_44] : memref<112x128xf32, #tpu.memory_space<vmem>> -> memref<96x128xf32, #tpu.memory_space<vmem>>
      %dma_wait3A_46 = arith.constant 0 : i32
      %dma_wait3A_47 = tpu.memref_slice %arg7[%add3A_19, %dma_wait3A_46] : memref<5120x128xf32, #tpu.memory_space<vmem_shared>> -> memref<96x128xf32, #tpu.memory_space<vmem_shared>>
      %dma_wait3A_48 = arith.constant 0 : i32
      %dma_wait3A_49 = tpu.memref_slice %arg7[%add3A_19, %dma_wait3A_48] : memref<5120x128xf32, #tpu.memory_space<vmem_shared>> -> memref<96x128xf32, #tpu.memory_space<vmem_shared>>
      %dma_wait3A_50 = arith.constant 0 : i32
      %dma_wait3A_51 = arith.constant 0 : i32
      %dma_wait3A_52 = tpu.memref_slice %arg13[%dma_wait3A_50, %dma_wait3A_51] : memref<112x128xf32, #tpu.memory_space<vmem>> -> memref<96x128xf32, #tpu.memory_space<vmem>>
      tpu.wait_dma2 semaphore(%run_scoped3A : memref<!tpu.dma_semaphore, #tpu.memory_space<semaphore_mem>>) src(%dma_wait3A_52 : memref<96x128xf32, #tpu.memory_space<vmem>>) dst(%dma_wait3A_49 : memref<96x128xf32, #tpu.memory_space<vmem_shared>>)
      tpu.yield
    }) : () -> ()
    %add3A_20 = arith.constant 224 : i32
    %add3A_21 = arith.addi %mul3A_9, %add3A_20 : i32
    "tpu.region"() ({
      %run_scoped3A = tpu.sem_alloc : memref<!tpu.dma_semaphore, #tpu.memory_space<semaphore_mem>>
      %dma_start3A_34 = arith.constant 0 : i32
      %dma_start3A_35 = arith.constant 0 : i32
      %dma_start3A_36 = tpu.memref_slice %arg13[%dma_start3A_34, %dma_start3A_35] : memref<112x128xf32, #tpu.memory_space<vmem>> -> memref<96x128xf32, #tpu.memory_space<vmem>>
      %dma_start3A_37 = arith.constant 0 : i32
      %dma_start3A_38 = tpu.memref_slice %arg8[%add3A_21, %dma_start3A_37] : memref<5120x128xf32, #tpu.memory_space<vmem_shared>> -> memref<96x128xf32, #tpu.memory_space<vmem_shared>>
      %dma_start3A_39 = arith.constant 0 : i32
      %dma_start3A_40 = tpu.memref_slice %arg8[%add3A_21, %dma_start3A_39] : memref<5120x128xf32, #tpu.memory_space<vmem_shared>> -> memref<96x128xf32, #tpu.memory_space<vmem_shared>>
      %dma_start3A_41 = arith.constant 0 : i32
      %dma_start3A_42 = arith.constant 0 : i32
      %dma_start3A_43 = tpu.memref_slice %arg13[%dma_start3A_41, %dma_start3A_42] : memref<112x128xf32, #tpu.memory_space<vmem>> -> memref<96x128xf32, #tpu.memory_space<vmem>>
      tpu.enqueue_dma source(%dma_start3A_43 : memref<96x128xf32, #tpu.memory_space<vmem>>) target(%dma_start3A_40 : memref<96x128xf32, #tpu.memory_space<vmem_shared>>) target_semaphore(%run_scoped3A : memref<!tpu.dma_semaphore, #tpu.memory_space<semaphore_mem>>)
      %dma_wait3A = arith.constant 0 : i32
      %dma_wait3A_44 = arith.constant 0 : i32
      %dma_wait3A_45 = tpu.memref_slice %arg13[%dma_wait3A, %dma_wait3A_44] : memref<112x128xf32, #tpu.memory_space<vmem>> -> memref<96x128xf32, #tpu.memory_space<vmem>>
      %dma_wait3A_46 = arith.constant 0 : i32
      %dma_wait3A_47 = tpu.memref_slice %arg8[%add3A_21, %dma_wait3A_46] : memref<5120x128xf32, #tpu.memory_space<vmem_shared>> -> memref<96x128xf32, #tpu.memory_space<vmem_shared>>
      %dma_wait3A_48 = arith.constant 0 : i32
      %dma_wait3A_49 = tpu.memref_slice %arg8[%add3A_21, %dma_wait3A_48] : memref<5120x128xf32, #tpu.memory_space<vmem_shared>> -> memref<96x128xf32, #tpu.memory_space<vmem_shared>>
      %dma_wait3A_50 = arith.constant 0 : i32
      %dma_wait3A_51 = arith.constant 0 : i32
      %dma_wait3A_52 = tpu.memref_slice %arg13[%dma_wait3A_50, %dma_wait3A_51] : memref<112x128xf32, #tpu.memory_space<vmem>> -> memref<96x128xf32, #tpu.memory_space<vmem>>
      tpu.wait_dma2 semaphore(%run_scoped3A : memref<!tpu.dma_semaphore, #tpu.memory_space<semaphore_mem>>) src(%dma_wait3A_52 : memref<96x128xf32, #tpu.memory_space<vmem>>) dst(%dma_wait3A_49 : memref<96x128xf32, #tpu.memory_space<vmem_shared>>)
      tpu.yield
    }) : () -> ()
    %barrier3A = arith.constant 0 : index
    tpu.barrier barrier_id(%barrier3A)
    %mul3A_22 = arith.constant 90 : i32
    %mul3A_23 = arith.muli %add3A, %mul3A_22 : i32
    %mul3A_24 = arith.constant 112 : i32
    %mul3A_25 = arith.muli %mul3A_23, %mul3A_24 : i32
    "tpu.region"() ({
      %run_scoped3A = tpu.sem_alloc : memref<!tpu.dma_semaphore, #tpu.memory_space<semaphore_mem>>
      %dma_start3A_34 = tpu.memref_slice %arg3[%mul3A_25] : memref<322560xi32, #tpu.memory_space<hbm>> -> memref<112xi32, #tpu.memory_space<hbm>>
      %dma_start3A_35 = tpu.memref_slice %arg3[%mul3A_25] : memref<322560xi32, #tpu.memory_space<hbm>> -> memref<112xi32, #tpu.memory_space<hbm>>
      tpu.enqueue_dma source(%dma_start3A_35 : memref<112xi32, #tpu.memory_space<hbm>>) target(%arg9 : memref<112xi32, #tpu.memory_space<vmem>>) target_semaphore(%run_scoped3A : memref<!tpu.dma_semaphore, #tpu.memory_space<semaphore_mem>>)
      %dma_wait3A = tpu.memref_slice %arg3[%mul3A_25] : memref<322560xi32, #tpu.memory_space<hbm>> -> memref<112xi32, #tpu.memory_space<hbm>>
      %dma_wait3A_36 = tpu.memref_slice %arg3[%mul3A_25] : memref<322560xi32, #tpu.memory_space<hbm>> -> memref<112xi32, #tpu.memory_space<hbm>>
      tpu.wait_dma2 semaphore(%run_scoped3A : memref<!tpu.dma_semaphore, #tpu.memory_space<semaphore_mem>>) src(%dma_wait3A_36 : memref<112xi32, #tpu.memory_space<hbm>>) dst(%arg9 : memref<112xi32, #tpu.memory_space<vmem>>)
      tpu.yield
    }) : () -> ()
    "tpu.region"() ({
      %run_scoped3A = tpu.sem_alloc : memref<!tpu.dma_semaphore, #tpu.memory_space<semaphore_mem>>
      %dma_start3A_34 = tpu.memref_slice %arg4[%mul3A_25] : memref<322560xi32, #tpu.memory_space<hbm>> -> memref<112xi32, #tpu.memory_space<hbm>>
      %dma_start3A_35 = tpu.memref_slice %arg4[%mul3A_25] : memref<322560xi32, #tpu.memory_space<hbm>> -> memref<112xi32, #tpu.memory_space<hbm>>
      tpu.enqueue_dma source(%dma_start3A_35 : memref<112xi32, #tpu.memory_space<hbm>>) target(%arg11 : memref<112xi32, #tpu.memory_space<vmem>>) target_semaphore(%run_scoped3A : memref<!tpu.dma_semaphore, #tpu.memory_space<semaphore_mem>>)
      %dma_wait3A = tpu.memref_slice %arg4[%mul3A_25] : memref<322560xi32, #tpu.memory_space<hbm>> -> memref<112xi32, #tpu.memory_space<hbm>>
      %dma_wait3A_36 = tpu.memref_slice %arg4[%mul3A_25] : memref<322560xi32, #tpu.memory_space<hbm>> -> memref<112xi32, #tpu.memory_space<hbm>>
      tpu.wait_dma2 semaphore(%run_scoped3A : memref<!tpu.dma_semaphore, #tpu.memory_space<semaphore_mem>>) src(%dma_wait3A_36 : memref<112xi32, #tpu.memory_space<hbm>>) dst(%arg11 : memref<112xi32, #tpu.memory_space<vmem>>)
      tpu.yield
    }) : () -> ()
    %dma_start3A = arith.constant 0 : i32
    %dma_start3A_26 = arith.constant 0 : i32
    %dma_start3A_27 = tpu.memref_slice %arg2[%dma_start3A, %dma_start3A_26] : memref<10000x128xf32, #tpu.memory_space<hbm>> -> memref<10000x128xf32, #tpu.memory_space<hbm>>
    tpu.enqueue_indirect_dma source(%dma_start3A_27 : memref<10000x128xf32, #tpu.memory_space<hbm>>) target(%arg13 : memref<112x128xf32, #tpu.memory_space<vmem>>) offsets(%arg9 : memref<112xi32, #tpu.memory_space<vmem>>) semaphore(%arg16 : memref<!tpu.dma_semaphore, #tpu.memory_space<semaphore_mem>>)
    %scan3A_28 = arith.constant 0 : i32
    %scan3A_29 = arith.constant 45 : i32
    %scan3A_30 = arith.addi %scan3A_28, %scan3A_29 : i32
    %scan3A_31 = arith.constant 1 : i32
    scf.for %scan3A_34 = %scan3A_28 to %scan3A_30 step %scan3A_31  : i32 {
      %mul3A_35 = arith.constant 1 : i32
      %mul3A_36 = arith.muli %scan3A_34, %mul3A_35 : i32
      %add3A_37 = arith.constant 0 : i32
      %add3A_38 = arith.addi %add3A_37, %mul3A_36 : i32
      %mul3A_39 = arith.constant 2 : i32
      %mul3A_40 = arith.muli %mul3A_39, %add3A_38 : i32
      %add3A_41 = arith.constant 0 : i32
      %add3A_42 = arith.addi %mul3A_40, %add3A_41 : i32
      %add3A_43 = arith.constant 1 : i32
      %add3A_44 = arith.addi %add3A_42, %add3A_43 : i32
      %lt3A = arith.constant 90 : i32
      %lt3A_45 = arith.cmpi slt, %add3A_44, %lt3A : i32
      %convert_element_type3A = arith.extui %lt3A_45 : i1 to i32
      %cond3A = arith.constant 0 : i32
      %cond3A_46 = arith.cmpi ne, %convert_element_type3A, %cond3A : i32
      scf.if %cond3A_46 {
        %add3A_63 = arith.constant 1 : i32
        %add3A_64 = arith.addi %add3A_42, %add3A_63 : i32
        %mul3A_65 = arith.constant 112 : i32
        %mul3A_66 = arith.muli %add3A_64, %mul3A_65 : i32
        %add3A_67 = arith.addi %mul3A_25, %mul3A_66 : i32
        "tpu.region"() ({
          %run_scoped3A = tpu.sem_alloc : memref<!tpu.dma_semaphore, #tpu.memory_space<semaphore_mem>>
          %dma_start3A_71 = tpu.memref_slice %arg3[%add3A_67] : memref<322560xi32, #tpu.memory_space<hbm>> -> memref<112xi32, #tpu.memory_space<hbm>>
          %dma_start3A_72 = tpu.memref_slice %arg3[%add3A_67] : memref<322560xi32, #tpu.memory_space<hbm>> -> memref<112xi32, #tpu.memory_space<hbm>>
          tpu.enqueue_dma source(%dma_start3A_72 : memref<112xi32, #tpu.memory_space<hbm>>) target(%arg10 : memref<112xi32, #tpu.memory_space<vmem>>) target_semaphore(%run_scoped3A : memref<!tpu.dma_semaphore, #tpu.memory_space<semaphore_mem>>)
          %dma_wait3A_73 = tpu.memref_slice %arg3[%add3A_67] : memref<322560xi32, #tpu.memory_space<hbm>> -> memref<112xi32, #tpu.memory_space<hbm>>
          %dma_wait3A_74 = tpu.memref_slice %arg3[%add3A_67] : memref<322560xi32, #tpu.memory_space<hbm>> -> memref<112xi32, #tpu.memory_space<hbm>>
          tpu.wait_dma2 semaphore(%run_scoped3A : memref<!tpu.dma_semaphore, #tpu.memory_space<semaphore_mem>>) src(%dma_wait3A_74 : memref<112xi32, #tpu.memory_space<hbm>>) dst(%arg10 : memref<112xi32, #tpu.memory_space<vmem>>)
          tpu.yield
        }) : () -> ()
        "tpu.region"() ({
          %run_scoped3A = tpu.sem_alloc : memref<!tpu.dma_semaphore, #tpu.memory_space<semaphore_mem>>
          %dma_start3A_71 = tpu.memref_slice %arg4[%add3A_67] : memref<322560xi32, #tpu.memory_space<hbm>> -> memref<112xi32, #tpu.memory_space<hbm>>
          %dma_start3A_72 = tpu.memref_slice %arg4[%add3A_67] : memref<322560xi32, #tpu.memory_space<hbm>> -> memref<112xi32, #tpu.memory_space<hbm>>
          tpu.enqueue_dma source(%dma_start3A_72 : memref<112xi32, #tpu.memory_space<hbm>>) target(%arg12 : memref<112xi32, #tpu.memory_space<vmem>>) target_semaphore(%run_scoped3A : memref<!tpu.dma_semaphore, #tpu.memory_space<semaphore_mem>>)
          %dma_wait3A_73 = tpu.memref_slice %arg4[%add3A_67] : memref<322560xi32, #tpu.memory_space<hbm>> -> memref<112xi32, #tpu.memory_space<hbm>>
          %dma_wait3A_74 = tpu.memref_slice %arg4[%add3A_67] : memref<322560xi32, #tpu.memory_space<hbm>> -> memref<112xi32, #tpu.memory_space<hbm>>
          tpu.wait_dma2 semaphore(%run_scoped3A : memref<!tpu.dma_semaphore, #tpu.memory_space<semaphore_mem>>) src(%dma_wait3A_74 : memref<112xi32, #tpu.memory_space<hbm>>) dst(%arg12 : memref<112xi32, #tpu.memory_space<vmem>>)
          tpu.yield
        }) : () -> ()
        %dma_start3A_68 = arith.constant 0 : i32
        %dma_start3A_69 = arith.constant 0 : i32
        %dma_start3A_70 = tpu.memref_slice %arg2[%dma_start3A_68, %dma_start3A_69] : memref<10000x128xf32, #tpu.memory_space<hbm>> -> memref<10000x128xf32, #tpu.memory_space<hbm>>
        tpu.enqueue_indirect_dma source(%dma_start3A_70 : memref<10000x128xf32, #tpu.memory_space<hbm>>) target(%arg14 : memref<112x128xf32, #tpu.memory_space<vmem>>) offsets(%arg10 : memref<112xi32, #tpu.memory_space<vmem>>) semaphore(%arg17 : memref<!tpu.dma_semaphore, #tpu.memory_space<semaphore_mem>>)
      } else {
      }
      %dma_wait3A = arith.constant 0 : i32
      %dma_wait3A_47 = arith.constant 0 : i32
      %dma_wait3A_48 = tpu.memref_slice %arg2[%dma_wait3A, %dma_wait3A_47] : memref<10000x128xf32, #tpu.memory_space<hbm>> -> memref<10000x128xf32, #tpu.memory_space<hbm>>
      tpu.wait_indirect_dma semaphore(%arg16 : memref<!tpu.dma_semaphore, #tpu.memory_space<semaphore_mem>>) src(%dma_wait3A_48 : memref<10000x128xf32, #tpu.memory_space<hbm>>) dst(%arg13 : memref<112x128xf32, #tpu.memory_space<vmem>>)
      "tpu.region"() ({
        %run_scoped3A = tpu.sem_alloc : memref<!tpu.dma_semaphore, #tpu.memory_space<semaphore_mem>>
        %dma_start3A_63 = arith.constant 0 : i32
        %dma_start3A_64 = arith.constant 0 : i32
        %dma_start3A_65 = tpu.memref_slice %arg7[%dma_start3A_63, %dma_start3A_64] : memref<5120x128xf32, #tpu.memory_space<vmem_shared>> -> memref<5120x128xf32, #tpu.memory_space<vmem_shared>>
        tpu.enqueue_indirect_dma source(%arg13 : memref<112x128xf32, #tpu.memory_space<vmem>>) target(%dma_start3A_65 : memref<5120x128xf32, #tpu.memory_space<vmem_shared>>) offsets(%arg11 : memref<112xi32, #tpu.memory_space<vmem>>) semaphore(%run_scoped3A : memref<!tpu.dma_semaphore, #tpu.memory_space<semaphore_mem>>) {add = true}
        %dma_wait3A_66 = arith.constant 0 : i32
        %dma_wait3A_67 = arith.constant 0 : i32
        %dma_wait3A_68 = tpu.memref_slice %arg7[%dma_wait3A_66, %dma_wait3A_67] : memref<5120x128xf32, #tpu.memory_space<vmem_shared>> -> memref<5120x128xf32, #tpu.memory_space<vmem_shared>>
        tpu.wait_indirect_dma semaphore(%run_scoped3A : memref<!tpu.dma_semaphore, #tpu.memory_space<semaphore_mem>>) src(%arg13 : memref<112x128xf32, #tpu.memory_space<vmem>>) dst(%dma_wait3A_68 : memref<5120x128xf32, #tpu.memory_space<vmem_shared>>)
        tpu.yield
      }) : () -> ()
      "tpu.region"() ({
        %run_scoped3A = tpu.sem_alloc : memref<!tpu.dma_semaphore, #tpu.memory_space<semaphore_mem>>
        %dma_start3A_63 = arith.constant 0 : i32
        %dma_start3A_64 = arith.constant 0 : i32
        %dma_start3A_65 = tpu.memref_slice %arg8[%dma_start3A_63, %dma_start3A_64] : memref<5120x128xf32, #tpu.memory_space<vmem_shared>> -> memref<5120x128xf32, #tpu.memory_space<vmem_shared>>
        tpu.enqueue_indirect_dma source(%arg15 : memref<112x128xf32, #tpu.memory_space<vmem>>) target(%dma_start3A_65 : memref<5120x128xf32, #tpu.memory_space<vmem_shared>>) offsets(%arg11 : memref<112xi32, #tpu.memory_space<vmem>>) semaphore(%run_scoped3A : memref<!tpu.dma_semaphore, #tpu.memory_space<semaphore_mem>>) {add = true}
        %dma_wait3A_66 = arith.constant 0 : i32
        %dma_wait3A_67 = arith.constant 0 : i32
        %dma_wait3A_68 = tpu.memref_slice %arg8[%dma_wait3A_66, %dma_wait3A_67] : memref<5120x128xf32, #tpu.memory_space<vmem_shared>> -> memref<5120x128xf32, #tpu.memory_space<vmem_shared>>
        tpu.wait_indirect_dma semaphore(%run_scoped3A : memref<!tpu.dma_semaphore, #tpu.memory_space<semaphore_mem>>) src(%arg15 : memref<112x128xf32, #tpu.memory_space<vmem>>) dst(%dma_wait3A_68 : memref<5120x128xf32, #tpu.memory_space<vmem_shared>>)
        tpu.yield
      }) : () -> ()
      %mul3A_49 = arith.constant 2 : i32
      %mul3A_50 = arith.muli %mul3A_49, %add3A_38 : i32
      %add3A_51 = arith.constant 1 : i32
      %add3A_52 = arith.addi %mul3A_50, %add3A_51 : i32
      %add3A_53 = arith.constant 1 : i32
      %add3A_54 = arith.addi %add3A_52, %add3A_53 : i32
      %lt3A_55 = arith.constant 90 : i32
      %lt3A_56 = arith.cmpi slt, %add3A_54, %lt3A_55 : i32
      %convert_element_type3A_57 = arith.extui %lt3A_56 : i1 to i32
      %cond3A_58 = arith.constant 0 : i32
      %cond3A_59 = arith.cmpi ne, %convert_element_type3A_57, %cond3A_58 : i32
      scf.if %cond3A_59 {
        %add3A_63 = arith.constant 1 : i32
        %add3A_64 = arith.addi %add3A_52, %add3A_63 : i32
        %mul3A_65 = arith.constant 112 : i32
        %mul3A_66 = arith.muli %add3A_64, %mul3A_65 : i32
        %add3A_67 = arith.addi %mul3A_25, %mul3A_66 : i32
        "tpu.region"() ({
          %run_scoped3A = tpu.sem_alloc : memref<!tpu.dma_semaphore, #tpu.memory_space<semaphore_mem>>
          %dma_start3A_71 = tpu.memref_slice %arg3[%add3A_67] : memref<322560xi32, #tpu.memory_space<hbm>> -> memref<112xi32, #tpu.memory_space<hbm>>
          %dma_start3A_72 = tpu.memref_slice %arg3[%add3A_67] : memref<322560xi32, #tpu.memory_space<hbm>> -> memref<112xi32, #tpu.memory_space<hbm>>
          tpu.enqueue_dma source(%dma_start3A_72 : memref<112xi32, #tpu.memory_space<hbm>>) target(%arg9 : memref<112xi32, #tpu.memory_space<vmem>>) target_semaphore(%run_scoped3A : memref<!tpu.dma_semaphore, #tpu.memory_space<semaphore_mem>>)
          %dma_wait3A_73 = tpu.memref_slice %arg3[%add3A_67] : memref<322560xi32, #tpu.memory_space<hbm>> -> memref<112xi32, #tpu.memory_space<hbm>>
          %dma_wait3A_74 = tpu.memref_slice %arg3[%add3A_67] : memref<322560xi32, #tpu.memory_space<hbm>> -> memref<112xi32, #tpu.memory_space<hbm>>
          tpu.wait_dma2 semaphore(%run_scoped3A : memref<!tpu.dma_semaphore, #tpu.memory_space<semaphore_mem>>) src(%dma_wait3A_74 : memref<112xi32, #tpu.memory_space<hbm>>) dst(%arg9 : memref<112xi32, #tpu.memory_space<vmem>>)
          tpu.yield
        }) : () -> ()
        "tpu.region"() ({
          %run_scoped3A = tpu.sem_alloc : memref<!tpu.dma_semaphore, #tpu.memory_space<semaphore_mem>>
          %dma_start3A_71 = tpu.memref_slice %arg4[%add3A_67] : memref<322560xi32, #tpu.memory_space<hbm>> -> memref<112xi32, #tpu.memory_space<hbm>>
          %dma_start3A_72 = tpu.memref_slice %arg4[%add3A_67] : memref<322560xi32, #tpu.memory_space<hbm>> -> memref<112xi32, #tpu.memory_space<hbm>>
          tpu.enqueue_dma source(%dma_start3A_72 : memref<112xi32, #tpu.memory_space<hbm>>) target(%arg11 : memref<112xi32, #tpu.memory_space<vmem>>) target_semaphore(%run_scoped3A : memref<!tpu.dma_semaphore, #tpu.memory_space<semaphore_mem>>)
          %dma_wait3A_73 = tpu.memref_slice %arg4[%add3A_67] : memref<322560xi32, #tpu.memory_space<hbm>> -> memref<112xi32, #tpu.memory_space<hbm>>
          %dma_wait3A_74 = tpu.memref_slice %arg4[%add3A_67] : memref<322560xi32, #tpu.memory_space<hbm>> -> memref<112xi32, #tpu.memory_space<hbm>>
          tpu.wait_dma2 semaphore(%run_scoped3A : memref<!tpu.dma_semaphore, #tpu.memory_space<semaphore_mem>>) src(%dma_wait3A_74 : memref<112xi32, #tpu.memory_space<hbm>>) dst(%arg11 : memref<112xi32, #tpu.memory_space<vmem>>)
          tpu.yield
        }) : () -> ()
        %dma_start3A_68 = arith.constant 0 : i32
        %dma_start3A_69 = arith.constant 0 : i32
        %dma_start3A_70 = tpu.memref_slice %arg2[%dma_start3A_68, %dma_start3A_69] : memref<10000x128xf32, #tpu.memory_space<hbm>> -> memref<10000x128xf32, #tpu.memory_space<hbm>>
        tpu.enqueue_indirect_dma source(%dma_start3A_70 : memref<10000x128xf32, #tpu.memory_space<hbm>>) target(%arg13 : memref<112x128xf32, #tpu.memory_space<vmem>>) offsets(%arg9 : memref<112xi32, #tpu.memory_space<vmem>>) semaphore(%arg16 : memref<!tpu.dma_semaphore, #tpu.memory_space<semaphore_mem>>)
      } else {
      }
      %dma_wait3A_60 = arith.constant 0 : i32
      %dma_wait3A_61 = arith.constant 0 : i32
      %dma_wait3A_62 = tpu.memref_slice %arg2[%dma_wait3A_60, %dma_wait3A_61] : memref<10000x128xf32, #tpu.memory_space<hbm>> -> memref<10000x128xf32, #tpu.memory_space<hbm>>
      tpu.wait_indirect_dma semaphore(%arg17 : memref<!tpu.dma_semaphore, #tpu.memory_space<semaphore_mem>>) src(%dma_wait3A_62 : memref<10000x128xf32, #tpu.memory_space<hbm>>) dst(%arg14 : memref<112x128xf32, #tpu.memory_space<vmem>>)
      "tpu.region"() ({
        %run_scoped3A = tpu.sem_alloc : memref<!tpu.dma_semaphore, #tpu.memory_space<semaphore_mem>>
        %dma_start3A_63 = arith.constant 0 : i32
        %dma_start3A_64 = arith.constant 0 : i32
        %dma_start3A_65 = tpu.memref_slice %arg7[%dma_start3A_63, %dma_start3A_64] : memref<5120x128xf32, #tpu.memory_space<vmem_shared>> -> memref<5120x128xf32, #tpu.memory_space<vmem_shared>>
        tpu.enqueue_indirect_dma source(%arg14 : memref<112x128xf32, #tpu.memory_space<vmem>>) target(%dma_start3A_65 : memref<5120x128xf32, #tpu.memory_space<vmem_shared>>) offsets(%arg12 : memref<112xi32, #tpu.memory_space<vmem>>) semaphore(%run_scoped3A : memref<!tpu.dma_semaphore, #tpu.memory_space<semaphore_mem>>) {add = true}
        %dma_wait3A_66 = arith.constant 0 : i32
        %dma_wait3A_67 = arith.constant 0 : i32
        %dma_wait3A_68 = tpu.memref_slice %arg7[%dma_wait3A_66, %dma_wait3A_67] : memref<5120x128xf32, #tpu.memory_space<vmem_shared>> -> memref<5120x128xf32, #tpu.memory_space<vmem_shared>>
        tpu.wait_indirect_dma semaphore(%run_scoped3A : memref<!tpu.dma_semaphore, #tpu.memory_space<semaphore_mem>>) src(%arg14 : memref<112x128xf32, #tpu.memory_space<vmem>>) dst(%dma_wait3A_68 : memref<5120x128xf32, #tpu.memory_space<vmem_shared>>)
        tpu.yield
      }) : () -> ()
      "tpu.region"() ({
        %run_scoped3A = tpu.sem_alloc : memref<!tpu.dma_semaphore, #tpu.memory_space<semaphore_mem>>
        %dma_start3A_63 = arith.constant 0 : i32
        %dma_start3A_64 = arith.constant 0 : i32
        %dma_start3A_65 = tpu.memref_slice %arg8[%dma_start3A_63, %dma_start3A_64] : memref<5120x128xf32, #tpu.memory_space<vmem_shared>> -> memref<5120x128xf32, #tpu.memory_space<vmem_shared>>
        tpu.enqueue_indirect_dma source(%arg15 : memref<112x128xf32, #tpu.memory_space<vmem>>) target(%dma_start3A_65 : memref<5120x128xf32, #tpu.memory_space<vmem_shared>>) offsets(%arg12 : memref<112xi32, #tpu.memory_space<vmem>>) semaphore(%run_scoped3A : memref<!tpu.dma_semaphore, #tpu.memory_space<semaphore_mem>>) {add = true}
        %dma_wait3A_66 = arith.constant 0 : i32
        %dma_wait3A_67 = arith.constant 0 : i32
        %dma_wait3A_68 = tpu.memref_slice %arg8[%dma_wait3A_66, %dma_wait3A_67] : memref<5120x128xf32, #tpu.memory_space<vmem_shared>> -> memref<5120x128xf32, #tpu.memory_space<vmem_shared>>
        tpu.wait_indirect_dma semaphore(%run_scoped3A : memref<!tpu.dma_semaphore, #tpu.memory_space<semaphore_mem>>) src(%arg15 : memref<112x128xf32, #tpu.memory_space<vmem>>) dst(%dma_wait3A_68 : memref<5120x128xf32, #tpu.memory_space<vmem_shared>>)
        tpu.yield
      }) : () -> ()
    }
    %scan3A_32 = arith.constant 45 : i32
    %barrier3A_33 = arith.constant 0 : index
    tpu.barrier barrier_id(%barrier3A_33)
    "tpu.region"() ({
      %run_scoped3A = tpu.sem_alloc : memref<!tpu.dma_semaphore, #tpu.memory_space<semaphore_mem>>
      %dma_start3A_34 = arith.constant 0 : i32
      %dma_start3A_35 = tpu.memref_slice %arg5[%arg0, %mul3A_9, %dma_start3A_34] : memref<2x5120x128xf32, #tpu.memory_space<hbm>> -> memref<1x320x128xf32, #tpu.memory_space<hbm>>
      %dma_start3A_36 = tpu.memref_squeeze %dma_start3A_35 : memref<1x320x128xf32, #tpu.memory_space<hbm>> -> memref<320x128xf32, #tpu.memory_space<hbm>>
      %dma_start3A_37 = arith.constant 0 : i32
      %dma_start3A_38 = tpu.memref_slice %arg7[%mul3A_9, %dma_start3A_37] : memref<5120x128xf32, #tpu.memory_space<vmem_shared>> -> memref<320x128xf32, #tpu.memory_space<vmem_shared>>
      tpu.enqueue_dma source(%dma_start3A_38 : memref<320x128xf32, #tpu.memory_space<vmem_shared>>) target(%dma_start3A_36 : memref<320x128xf32, #tpu.memory_space<hbm>>) target_semaphore(%run_scoped3A : memref<!tpu.dma_semaphore, #tpu.memory_space<semaphore_mem>>)
      %dma_wait3A = arith.constant 0 : i32
      %dma_wait3A_39 = tpu.memref_slice %arg5[%arg0, %mul3A_9, %dma_wait3A] : memref<2x5120x128xf32, #tpu.memory_space<hbm>> -> memref<1x320x128xf32, #tpu.memory_space<hbm>>
      %dma_wait3A_40 = tpu.memref_squeeze %dma_wait3A_39 : memref<1x320x128xf32, #tpu.memory_space<hbm>> -> memref<320x128xf32, #tpu.memory_space<hbm>>
      %dma_wait3A_41 = arith.constant 0 : i32
      %dma_wait3A_42 = tpu.memref_slice %arg7[%mul3A_9, %dma_wait3A_41] : memref<5120x128xf32, #tpu.memory_space<vmem_shared>> -> memref<320x128xf32, #tpu.memory_space<vmem_shared>>
      tpu.wait_dma2 semaphore(%run_scoped3A : memref<!tpu.dma_semaphore, #tpu.memory_space<semaphore_mem>>) src(%dma_wait3A_42 : memref<320x128xf32, #tpu.memory_space<vmem_shared>>) dst(%dma_wait3A_40 : memref<320x128xf32, #tpu.memory_space<hbm>>)
      tpu.yield
    }) : () -> ()
    "tpu.region"() ({
      %run_scoped3A = tpu.sem_alloc : memref<!tpu.dma_semaphore, #tpu.memory_space<semaphore_mem>>
      %dma_start3A_34 = arith.constant 0 : i32
      %dma_start3A_35 = tpu.memref_slice %arg6[%arg0, %mul3A_9, %dma_start3A_34] : memref<2x5120x128xf32, #tpu.memory_space<hbm>> -> memref<1x320x128xf32, #tpu.memory_space<hbm>>
      %dma_start3A_36 = tpu.memref_squeeze %dma_start3A_35 : memref<1x320x128xf32, #tpu.memory_space<hbm>> -> memref<320x128xf32, #tpu.memory_space<hbm>>
      %dma_start3A_37 = arith.constant 0 : i32
      %dma_start3A_38 = tpu.memref_slice %arg8[%mul3A_9, %dma_start3A_37] : memref<5120x128xf32, #tpu.memory_space<vmem_shared>> -> memref<320x128xf32, #tpu.memory_space<vmem_shared>>
      tpu.enqueue_dma source(%dma_start3A_38 : memref<320x128xf32, #tpu.memory_space<vmem_shared>>) target(%dma_start3A_36 : memref<320x128xf32, #tpu.memory_space<hbm>>) target_semaphore(%run_scoped3A : memref<!tpu.dma_semaphore, #tpu.memory_space<semaphore_mem>>)
      %dma_wait3A = arith.constant 0 : i32
      %dma_wait3A_39 = tpu.memref_slice %arg6[%arg0, %mul3A_9, %dma_wait3A] : memref<2x5120x128xf32, #tpu.memory_space<hbm>> -> memref<1x320x128xf32, #tpu.memory_space<hbm>>
      %dma_wait3A_40 = tpu.memref_squeeze %dma_wait3A_39 : memref<1x320x128xf32, #tpu.memory_space<hbm>> -> memref<320x128xf32, #tpu.memory_space<hbm>>
      %dma_wait3A_41 = arith.constant 0 : i32
      %dma_wait3A_42 = tpu.memref_slice %arg8[%mul3A_9, %dma_wait3A_41] : memref<5120x128xf32, #tpu.memory_space<vmem_shared>> -> memref<320x128xf32, #tpu.memory_space<vmem_shared>>
      tpu.wait_dma2 semaphore(%run_scoped3A : memref<!tpu.dma_semaphore, #tpu.memory_space<semaphore_mem>>) src(%dma_wait3A_42 : memref<320x128xf32, #tpu.memory_space<vmem_shared>>) dst(%dma_wait3A_40 : memref<320x128xf32, #tpu.memory_space<hbm>>)
      tpu.yield
    }) : () -> ()
    return
  }
}

#map = affine_map<(d0, d1) -> (0, 0)>
#map1 = affine_map<(d0, d1) -> (0)>
#map2 = affine_map<(d0, d1) -> (0, 0, 0)>
module attributes {stable_mosaic.version = 14 : i64} {
  func.func @body(%arg0: i32, %arg1: i32, %arg2: memref<5000x128xf32, #tpu.memory_space<hbm>>, %arg3: memref<164864xi32, #tpu.memory_space<hbm>>, %arg4: memref<164864xi32, #tpu.memory_space<hbm>>, %arg5: memref<2x1152x128xf32, #tpu.memory_space<hbm>>, %arg6: memref<2x1152x128xf32, #tpu.memory_space<hbm>>, %arg7: memref<1152x128xf32, #tpu.memory_space<vmem_shared>>, %arg8: memref<1152x128xf32, #tpu.memory_space<vmem_shared>>, %arg9: memref<112xi32, #tpu.memory_space<vmem>>, %arg10: memref<112xi32, #tpu.memory_space<vmem>>, %arg11: memref<112xi32, #tpu.memory_space<vmem>>, %arg12: memref<112xi32, #tpu.memory_space<vmem>>, %arg13: memref<112x128xf32, #tpu.memory_space<vmem>>, %arg14: memref<112x128xf32, #tpu.memory_space<vmem>>, %arg15: memref<112x128xf32, #tpu.memory_space<vmem>>, %arg16: memref<!tpu.dma_semaphore, #tpu.memory_space<semaphore_mem>>, %arg17: memref<!tpu.dma_semaphore, #tpu.memory_space<semaphore_mem>>) attributes {dimension_semantics = [#tpu.dimension_semantics<core_parallel>, #tpu.dimension_semantics<subcore_parallel>], iteration_bounds = array<i64: 2, 16>, scalar_prefetch = 0 : i64, scratch_operands = 11 : i64, tpu.core_type = #tpu.core_type<sc_vector_subcore>, window_params = [{transform_indices = #map}, {transform_indices = #map1}, {transform_indices = #map1}, {transform_indices = #map2}, {transform_indices = #map2}]} {
    %mul3A = arith.constant 16 : i32
    %mul3A_0 = arith.muli %arg0, %mul3A : i32
    %add3A = arith.addi %mul3A_0, %arg1 : i32
    %broadcast_in_dim3A = arith.constant 0.000000e+00 : f32
    %broadcast_in_dim3A_1 = vector.broadcast %broadcast_in_dim3A : f32 to vector<16xf32>
    %broadcast_in_dim3A_2 = arith.constant 1.000000e+00 : f32
    %broadcast_in_dim3A_3 = vector.broadcast %broadcast_in_dim3A_2 : f32 to vector<16xf32>
    %scan3A = arith.constant 0 : i32
    %scan3A_4 = arith.constant 112 : i32
    %scan3A_5 = arith.addi %scan3A, %scan3A_4 : i32
    %scan3A_6 = arith.constant 1 : i32
    scf.for %scan3A_26 = %scan3A to %scan3A_5 step %scan3A_6  : i32 {
      %mul3A_27 = arith.constant 1 : i32
      %mul3A_28 = arith.muli %scan3A_26, %mul3A_27 : i32
      %add3A_29 = arith.constant 0 : i32
      %add3A_30 = arith.addi %add3A_29, %mul3A_28 : i32
      %scan3A_31 = arith.constant 0 : i32
      %scan3A_32 = arith.constant 8 : i32
      %scan3A_33 = arith.addi %scan3A_31, %scan3A_32 : i32
      %scan3A_34 = arith.constant 1 : i32
      scf.for %scan3A_36 = %scan3A_31 to %scan3A_33 step %scan3A_34  : i32 {
        %mul3A_37 = arith.constant 1 : i32
        %mul3A_38 = arith.muli %scan3A_36, %mul3A_37 : i32
        %add3A_39 = arith.constant 0 : i32
        %add3A_40 = arith.addi %add3A_39, %mul3A_38 : i32
        %mul3A_41 = arith.constant 16 : i32
        %mul3A_42 = arith.muli %add3A_40, %mul3A_41 : i32
        %swap3A = arith.index_cast %add3A_30 : i32 to index
        %swap3A_43 = arith.index_cast %mul3A_42 : i32 to index
        %swap3A_44 = tpu.vector_load %arg13[%swap3A, %swap3A_43] {strides = array<i32>} : memref<112x128xf32, #tpu.memory_space<vmem>>, vector<1x16xf32>,
        %swap3A_45 = vector.shape_cast %swap3A_44 : vector<1x16xf32> to vector<16xf32>
        %swap3A_46 = vector.shape_cast %broadcast_in_dim3A_1 : vector<16xf32> to vector<1x16xf32>
        tpu.vector_store %arg13[%swap3A, %swap3A_43], %swap3A_46 {strides = array<i32>} : memref<112x128xf32, #tpu.memory_space<vmem>>, vector<1x16xf32>,
        %mul3A_47 = arith.constant 16 : i32
        %mul3A_48 = arith.muli %add3A_40, %mul3A_47 : i32
        %swap3A_49 = arith.index_cast %add3A_30 : i32 to index
        %swap3A_50 = arith.index_cast %mul3A_48 : i32 to index
        %swap3A_51 = tpu.vector_load %arg15[%swap3A_49, %swap3A_50] {strides = array<i32>} : memref<112x128xf32, #tpu.memory_space<vmem>>, vector<1x16xf32>,
        %swap3A_52 = vector.shape_cast %swap3A_51 : vector<1x16xf32> to vector<16xf32>
        %swap3A_53 = vector.shape_cast %broadcast_in_dim3A_3 : vector<16xf32> to vector<1x16xf32>
        tpu.vector_store %arg15[%swap3A_49, %swap3A_50], %swap3A_53 {strides = array<i32>} : memref<112x128xf32, #tpu.memory_space<vmem>>, vector<1x16xf32>,
      }
      %scan3A_35 = arith.constant 8 : i32
    }
    %scan3A_7 = arith.constant 112 : i32
    %mul3A_8 = arith.constant 72 : i32
    %mul3A_9 = arith.muli %arg1, %mul3A_8 : i32
    %add3A_10 = arith.constant 0 : i32
    %add3A_11 = arith.addi %mul3A_9, %add3A_10 : i32
    "tpu.region"() ({
      %run_scoped3A = tpu.sem_alloc : memref<!tpu.dma_semaphore, #tpu.memory_space<semaphore_mem>>
      %dma_start3A_26 = arith.constant 0 : i32
      %dma_start3A_27 = arith.constant 0 : i32
      %dma_start3A_28 = tpu.memref_slice %arg13[%dma_start3A_26, %dma_start3A_27] : memref<112x128xf32, #tpu.memory_space<vmem>> -> memref<72x128xf32, #tpu.memory_space<vmem>>
      %dma_start3A_29 = arith.constant 0 : i32
      %dma_start3A_30 = tpu.memref_slice %arg7[%add3A_11, %dma_start3A_29] : memref<1152x128xf32, #tpu.memory_space<vmem_shared>> -> memref<72x128xf32, #tpu.memory_space<vmem_shared>>
      %dma_start3A_31 = arith.constant 0 : i32
      %dma_start3A_32 = tpu.memref_slice %arg7[%add3A_11, %dma_start3A_31] : memref<1152x128xf32, #tpu.memory_space<vmem_shared>> -> memref<72x128xf32, #tpu.memory_space<vmem_shared>>
      %dma_start3A_33 = arith.constant 0 : i32
      %dma_start3A_34 = arith.constant 0 : i32
      %dma_start3A_35 = tpu.memref_slice %arg13[%dma_start3A_33, %dma_start3A_34] : memref<112x128xf32, #tpu.memory_space<vmem>> -> memref<72x128xf32, #tpu.memory_space<vmem>>
      tpu.enqueue_dma source(%dma_start3A_35 : memref<72x128xf32, #tpu.memory_space<vmem>>) target(%dma_start3A_32 : memref<72x128xf32, #tpu.memory_space<vmem_shared>>) target_semaphore(%run_scoped3A : memref<!tpu.dma_semaphore, #tpu.memory_space<semaphore_mem>>)
      %dma_wait3A = arith.constant 0 : i32
      %dma_wait3A_36 = arith.constant 0 : i32
      %dma_wait3A_37 = tpu.memref_slice %arg13[%dma_wait3A, %dma_wait3A_36] : memref<112x128xf32, #tpu.memory_space<vmem>> -> memref<72x128xf32, #tpu.memory_space<vmem>>
      %dma_wait3A_38 = arith.constant 0 : i32
      %dma_wait3A_39 = tpu.memref_slice %arg7[%add3A_11, %dma_wait3A_38] : memref<1152x128xf32, #tpu.memory_space<vmem_shared>> -> memref<72x128xf32, #tpu.memory_space<vmem_shared>>
      %dma_wait3A_40 = arith.constant 0 : i32
      %dma_wait3A_41 = tpu.memref_slice %arg7[%add3A_11, %dma_wait3A_40] : memref<1152x128xf32, #tpu.memory_space<vmem_shared>> -> memref<72x128xf32, #tpu.memory_space<vmem_shared>>
      %dma_wait3A_42 = arith.constant 0 : i32
      %dma_wait3A_43 = arith.constant 0 : i32
      %dma_wait3A_44 = tpu.memref_slice %arg13[%dma_wait3A_42, %dma_wait3A_43] : memref<112x128xf32, #tpu.memory_space<vmem>> -> memref<72x128xf32, #tpu.memory_space<vmem>>
      tpu.wait_dma2 semaphore(%run_scoped3A : memref<!tpu.dma_semaphore, #tpu.memory_space<semaphore_mem>>) src(%dma_wait3A_44 : memref<72x128xf32, #tpu.memory_space<vmem>>) dst(%dma_wait3A_41 : memref<72x128xf32, #tpu.memory_space<vmem_shared>>)
      tpu.yield
    }) : () -> ()
    %add3A_12 = arith.constant 0 : i32
    %add3A_13 = arith.addi %mul3A_9, %add3A_12 : i32
    "tpu.region"() ({
      %run_scoped3A = tpu.sem_alloc : memref<!tpu.dma_semaphore, #tpu.memory_space<semaphore_mem>>
      %dma_start3A_26 = arith.constant 0 : i32
      %dma_start3A_27 = arith.constant 0 : i32
      %dma_start3A_28 = tpu.memref_slice %arg13[%dma_start3A_26, %dma_start3A_27] : memref<112x128xf32, #tpu.memory_space<vmem>> -> memref<72x128xf32, #tpu.memory_space<vmem>>
      %dma_start3A_29 = arith.constant 0 : i32
      %dma_start3A_30 = tpu.memref_slice %arg8[%add3A_13, %dma_start3A_29] : memref<1152x128xf32, #tpu.memory_space<vmem_shared>> -> memref<72x128xf32, #tpu.memory_space<vmem_shared>>
      %dma_start3A_31 = arith.constant 0 : i32
      %dma_start3A_32 = tpu.memref_slice %arg8[%add3A_13, %dma_start3A_31] : memref<1152x128xf32, #tpu.memory_space<vmem_shared>> -> memref<72x128xf32, #tpu.memory_space<vmem_shared>>
      %dma_start3A_33 = arith.constant 0 : i32
      %dma_start3A_34 = arith.constant 0 : i32
      %dma_start3A_35 = tpu.memref_slice %arg13[%dma_start3A_33, %dma_start3A_34] : memref<112x128xf32, #tpu.memory_space<vmem>> -> memref<72x128xf32, #tpu.memory_space<vmem>>
      tpu.enqueue_dma source(%dma_start3A_35 : memref<72x128xf32, #tpu.memory_space<vmem>>) target(%dma_start3A_32 : memref<72x128xf32, #tpu.memory_space<vmem_shared>>) target_semaphore(%run_scoped3A : memref<!tpu.dma_semaphore, #tpu.memory_space<semaphore_mem>>)
      %dma_wait3A = arith.constant 0 : i32
      %dma_wait3A_36 = arith.constant 0 : i32
      %dma_wait3A_37 = tpu.memref_slice %arg13[%dma_wait3A, %dma_wait3A_36] : memref<112x128xf32, #tpu.memory_space<vmem>> -> memref<72x128xf32, #tpu.memory_space<vmem>>
      %dma_wait3A_38 = arith.constant 0 : i32
      %dma_wait3A_39 = tpu.memref_slice %arg8[%add3A_13, %dma_wait3A_38] : memref<1152x128xf32, #tpu.memory_space<vmem_shared>> -> memref<72x128xf32, #tpu.memory_space<vmem_shared>>
      %dma_wait3A_40 = arith.constant 0 : i32
      %dma_wait3A_41 = tpu.memref_slice %arg8[%add3A_13, %dma_wait3A_40] : memref<1152x128xf32, #tpu.memory_space<vmem_shared>> -> memref<72x128xf32, #tpu.memory_space<vmem_shared>>
      %dma_wait3A_42 = arith.constant 0 : i32
      %dma_wait3A_43 = arith.constant 0 : i32
      %dma_wait3A_44 = tpu.memref_slice %arg13[%dma_wait3A_42, %dma_wait3A_43] : memref<112x128xf32, #tpu.memory_space<vmem>> -> memref<72x128xf32, #tpu.memory_space<vmem>>
      tpu.wait_dma2 semaphore(%run_scoped3A : memref<!tpu.dma_semaphore, #tpu.memory_space<semaphore_mem>>) src(%dma_wait3A_44 : memref<72x128xf32, #tpu.memory_space<vmem>>) dst(%dma_wait3A_41 : memref<72x128xf32, #tpu.memory_space<vmem_shared>>)
      tpu.yield
    }) : () -> ()
    %barrier3A = arith.constant 0 : index
    tpu.barrier barrier_id(%barrier3A)
    %mul3A_14 = arith.constant 46 : i32
    %mul3A_15 = arith.muli %add3A, %mul3A_14 : i32
    %mul3A_16 = arith.constant 112 : i32
    %mul3A_17 = arith.muli %mul3A_15, %mul3A_16 : i32
    "tpu.region"() ({
      %run_scoped3A = tpu.sem_alloc : memref<!tpu.dma_semaphore, #tpu.memory_space<semaphore_mem>>
      %dma_start3A_26 = tpu.memref_slice %arg3[%mul3A_17] : memref<164864xi32, #tpu.memory_space<hbm>> -> memref<112xi32, #tpu.memory_space<hbm>>
      %dma_start3A_27 = tpu.memref_slice %arg3[%mul3A_17] : memref<164864xi32, #tpu.memory_space<hbm>> -> memref<112xi32, #tpu.memory_space<hbm>>
      tpu.enqueue_dma source(%dma_start3A_27 : memref<112xi32, #tpu.memory_space<hbm>>) target(%arg9 : memref<112xi32, #tpu.memory_space<vmem>>) target_semaphore(%run_scoped3A : memref<!tpu.dma_semaphore, #tpu.memory_space<semaphore_mem>>)
      %dma_wait3A = tpu.memref_slice %arg3[%mul3A_17] : memref<164864xi32, #tpu.memory_space<hbm>> -> memref<112xi32, #tpu.memory_space<hbm>>
      %dma_wait3A_28 = tpu.memref_slice %arg3[%mul3A_17] : memref<164864xi32, #tpu.memory_space<hbm>> -> memref<112xi32, #tpu.memory_space<hbm>>
      tpu.wait_dma2 semaphore(%run_scoped3A : memref<!tpu.dma_semaphore, #tpu.memory_space<semaphore_mem>>) src(%dma_wait3A_28 : memref<112xi32, #tpu.memory_space<hbm>>) dst(%arg9 : memref<112xi32, #tpu.memory_space<vmem>>)
      tpu.yield
    }) : () -> ()
    "tpu.region"() ({
      %run_scoped3A = tpu.sem_alloc : memref<!tpu.dma_semaphore, #tpu.memory_space<semaphore_mem>>
      %dma_start3A_26 = tpu.memref_slice %arg4[%mul3A_17] : memref<164864xi32, #tpu.memory_space<hbm>> -> memref<112xi32, #tpu.memory_space<hbm>>
      %dma_start3A_27 = tpu.memref_slice %arg4[%mul3A_17] : memref<164864xi32, #tpu.memory_space<hbm>> -> memref<112xi32, #tpu.memory_space<hbm>>
      tpu.enqueue_dma source(%dma_start3A_27 : memref<112xi32, #tpu.memory_space<hbm>>) target(%arg11 : memref<112xi32, #tpu.memory_space<vmem>>) target_semaphore(%run_scoped3A : memref<!tpu.dma_semaphore, #tpu.memory_space<semaphore_mem>>)
      %dma_wait3A = tpu.memref_slice %arg4[%mul3A_17] : memref<164864xi32, #tpu.memory_space<hbm>> -> memref<112xi32, #tpu.memory_space<hbm>>
      %dma_wait3A_28 = tpu.memref_slice %arg4[%mul3A_17] : memref<164864xi32, #tpu.memory_space<hbm>> -> memref<112xi32, #tpu.memory_space<hbm>>
      tpu.wait_dma2 semaphore(%run_scoped3A : memref<!tpu.dma_semaphore, #tpu.memory_space<semaphore_mem>>) src(%dma_wait3A_28 : memref<112xi32, #tpu.memory_space<hbm>>) dst(%arg11 : memref<112xi32, #tpu.memory_space<vmem>>)
      tpu.yield
    }) : () -> ()
    %dma_start3A = arith.constant 0 : i32
    %dma_start3A_18 = arith.constant 0 : i32
    %dma_start3A_19 = tpu.memref_slice %arg2[%dma_start3A, %dma_start3A_18] : memref<5000x128xf32, #tpu.memory_space<hbm>> -> memref<5000x128xf32, #tpu.memory_space<hbm>>
    tpu.enqueue_indirect_dma source(%dma_start3A_19 : memref<5000x128xf32, #tpu.memory_space<hbm>>) target(%arg13 : memref<112x128xf32, #tpu.memory_space<vmem>>) offsets(%arg9 : memref<112xi32, #tpu.memory_space<vmem>>) semaphore(%arg16 : memref<!tpu.dma_semaphore, #tpu.memory_space<semaphore_mem>>)
    %scan3A_20 = arith.constant 0 : i32
    %scan3A_21 = arith.constant 23 : i32
    %scan3A_22 = arith.addi %scan3A_20, %scan3A_21 : i32
    %scan3A_23 = arith.constant 1 : i32
    scf.for %scan3A_26 = %scan3A_20 to %scan3A_22 step %scan3A_23  : i32 {
      %mul3A_27 = arith.constant 1 : i32
      %mul3A_28 = arith.muli %scan3A_26, %mul3A_27 : i32
      %add3A_29 = arith.constant 0 : i32
      %add3A_30 = arith.addi %add3A_29, %mul3A_28 : i32
      %mul3A_31 = arith.constant 2 : i32
      %mul3A_32 = arith.muli %mul3A_31, %add3A_30 : i32
      %add3A_33 = arith.constant 0 : i32
      %add3A_34 = arith.addi %mul3A_32, %add3A_33 : i32
      %add3A_35 = arith.constant 1 : i32
      %add3A_36 = arith.addi %add3A_34, %add3A_35 : i32
      %lt3A = arith.constant 46 : i32
      %lt3A_37 = arith.cmpi slt, %add3A_36, %lt3A : i32
      %convert_element_type3A = arith.extui %lt3A_37 : i1 to i32
      %cond3A = arith.constant 0 : i32
      %cond3A_38 = arith.cmpi ne, %convert_element_type3A, %cond3A : i32
      scf.if %cond3A_38 {
        %add3A_55 = arith.constant 1 : i32
        %add3A_56 = arith.addi %add3A_34, %add3A_55 : i32
        %mul3A_57 = arith.constant 112 : i32
        %mul3A_58 = arith.muli %add3A_56, %mul3A_57 : i32
        %add3A_59 = arith.addi %mul3A_17, %mul3A_58 : i32
        "tpu.region"() ({
          %run_scoped3A = tpu.sem_alloc : memref<!tpu.dma_semaphore, #tpu.memory_space<semaphore_mem>>
          %dma_start3A_63 = tpu.memref_slice %arg3[%add3A_59] : memref<164864xi32, #tpu.memory_space<hbm>> -> memref<112xi32, #tpu.memory_space<hbm>>
          %dma_start3A_64 = tpu.memref_slice %arg3[%add3A_59] : memref<164864xi32, #tpu.memory_space<hbm>> -> memref<112xi32, #tpu.memory_space<hbm>>
          tpu.enqueue_dma source(%dma_start3A_64 : memref<112xi32, #tpu.memory_space<hbm>>) target(%arg10 : memref<112xi32, #tpu.memory_space<vmem>>) target_semaphore(%run_scoped3A : memref<!tpu.dma_semaphore, #tpu.memory_space<semaphore_mem>>)
          %dma_wait3A_65 = tpu.memref_slice %arg3[%add3A_59] : memref<164864xi32, #tpu.memory_space<hbm>> -> memref<112xi32, #tpu.memory_space<hbm>>
          %dma_wait3A_66 = tpu.memref_slice %arg3[%add3A_59] : memref<164864xi32, #tpu.memory_space<hbm>> -> memref<112xi32, #tpu.memory_space<hbm>>
          tpu.wait_dma2 semaphore(%run_scoped3A : memref<!tpu.dma_semaphore, #tpu.memory_space<semaphore_mem>>) src(%dma_wait3A_66 : memref<112xi32, #tpu.memory_space<hbm>>) dst(%arg10 : memref<112xi32, #tpu.memory_space<vmem>>)
          tpu.yield
        }) : () -> ()
        "tpu.region"() ({
          %run_scoped3A = tpu.sem_alloc : memref<!tpu.dma_semaphore, #tpu.memory_space<semaphore_mem>>
          %dma_start3A_63 = tpu.memref_slice %arg4[%add3A_59] : memref<164864xi32, #tpu.memory_space<hbm>> -> memref<112xi32, #tpu.memory_space<hbm>>
          %dma_start3A_64 = tpu.memref_slice %arg4[%add3A_59] : memref<164864xi32, #tpu.memory_space<hbm>> -> memref<112xi32, #tpu.memory_space<hbm>>
          tpu.enqueue_dma source(%dma_start3A_64 : memref<112xi32, #tpu.memory_space<hbm>>) target(%arg12 : memref<112xi32, #tpu.memory_space<vmem>>) target_semaphore(%run_scoped3A : memref<!tpu.dma_semaphore, #tpu.memory_space<semaphore_mem>>)
          %dma_wait3A_65 = tpu.memref_slice %arg4[%add3A_59] : memref<164864xi32, #tpu.memory_space<hbm>> -> memref<112xi32, #tpu.memory_space<hbm>>
          %dma_wait3A_66 = tpu.memref_slice %arg4[%add3A_59] : memref<164864xi32, #tpu.memory_space<hbm>> -> memref<112xi32, #tpu.memory_space<hbm>>
          tpu.wait_dma2 semaphore(%run_scoped3A : memref<!tpu.dma_semaphore, #tpu.memory_space<semaphore_mem>>) src(%dma_wait3A_66 : memref<112xi32, #tpu.memory_space<hbm>>) dst(%arg12 : memref<112xi32, #tpu.memory_space<vmem>>)
          tpu.yield
        }) : () -> ()
        %dma_start3A_60 = arith.constant 0 : i32
        %dma_start3A_61 = arith.constant 0 : i32
        %dma_start3A_62 = tpu.memref_slice %arg2[%dma_start3A_60, %dma_start3A_61] : memref<5000x128xf32, #tpu.memory_space<hbm>> -> memref<5000x128xf32, #tpu.memory_space<hbm>>
        tpu.enqueue_indirect_dma source(%dma_start3A_62 : memref<5000x128xf32, #tpu.memory_space<hbm>>) target(%arg14 : memref<112x128xf32, #tpu.memory_space<vmem>>) offsets(%arg10 : memref<112xi32, #tpu.memory_space<vmem>>) semaphore(%arg17 : memref<!tpu.dma_semaphore, #tpu.memory_space<semaphore_mem>>)
      } else {
      }
      %dma_wait3A = arith.constant 0 : i32
      %dma_wait3A_39 = arith.constant 0 : i32
      %dma_wait3A_40 = tpu.memref_slice %arg2[%dma_wait3A, %dma_wait3A_39] : memref<5000x128xf32, #tpu.memory_space<hbm>> -> memref<5000x128xf32, #tpu.memory_space<hbm>>
      tpu.wait_indirect_dma semaphore(%arg16 : memref<!tpu.dma_semaphore, #tpu.memory_space<semaphore_mem>>) src(%dma_wait3A_40 : memref<5000x128xf32, #tpu.memory_space<hbm>>) dst(%arg13 : memref<112x128xf32, #tpu.memory_space<vmem>>)
      "tpu.region"() ({
        %run_scoped3A = tpu.sem_alloc : memref<!tpu.dma_semaphore, #tpu.memory_space<semaphore_mem>>
        %dma_start3A_55 = arith.constant 0 : i32
        %dma_start3A_56 = arith.constant 0 : i32
        %dma_start3A_57 = tpu.memref_slice %arg7[%dma_start3A_55, %dma_start3A_56] : memref<1152x128xf32, #tpu.memory_space<vmem_shared>> -> memref<1152x128xf32, #tpu.memory_space<vmem_shared>>
        tpu.enqueue_indirect_dma source(%arg13 : memref<112x128xf32, #tpu.memory_space<vmem>>) target(%dma_start3A_57 : memref<1152x128xf32, #tpu.memory_space<vmem_shared>>) offsets(%arg11 : memref<112xi32, #tpu.memory_space<vmem>>) semaphore(%run_scoped3A : memref<!tpu.dma_semaphore, #tpu.memory_space<semaphore_mem>>) {add = true}
        %dma_wait3A_58 = arith.constant 0 : i32
        %dma_wait3A_59 = arith.constant 0 : i32
        %dma_wait3A_60 = tpu.memref_slice %arg7[%dma_wait3A_58, %dma_wait3A_59] : memref<1152x128xf32, #tpu.memory_space<vmem_shared>> -> memref<1152x128xf32, #tpu.memory_space<vmem_shared>>
        tpu.wait_indirect_dma semaphore(%run_scoped3A : memref<!tpu.dma_semaphore, #tpu.memory_space<semaphore_mem>>) src(%arg13 : memref<112x128xf32, #tpu.memory_space<vmem>>) dst(%dma_wait3A_60 : memref<1152x128xf32, #tpu.memory_space<vmem_shared>>)
        tpu.yield
      }) : () -> ()
      "tpu.region"() ({
        %run_scoped3A = tpu.sem_alloc : memref<!tpu.dma_semaphore, #tpu.memory_space<semaphore_mem>>
        %dma_start3A_55 = arith.constant 0 : i32
        %dma_start3A_56 = arith.constant 0 : i32
        %dma_start3A_57 = tpu.memref_slice %arg8[%dma_start3A_55, %dma_start3A_56] : memref<1152x128xf32, #tpu.memory_space<vmem_shared>> -> memref<1152x128xf32, #tpu.memory_space<vmem_shared>>
        tpu.enqueue_indirect_dma source(%arg15 : memref<112x128xf32, #tpu.memory_space<vmem>>) target(%dma_start3A_57 : memref<1152x128xf32, #tpu.memory_space<vmem_shared>>) offsets(%arg11 : memref<112xi32, #tpu.memory_space<vmem>>) semaphore(%run_scoped3A : memref<!tpu.dma_semaphore, #tpu.memory_space<semaphore_mem>>) {add = true}
        %dma_wait3A_58 = arith.constant 0 : i32
        %dma_wait3A_59 = arith.constant 0 : i32
        %dma_wait3A_60 = tpu.memref_slice %arg8[%dma_wait3A_58, %dma_wait3A_59] : memref<1152x128xf32, #tpu.memory_space<vmem_shared>> -> memref<1152x128xf32, #tpu.memory_space<vmem_shared>>
        tpu.wait_indirect_dma semaphore(%run_scoped3A : memref<!tpu.dma_semaphore, #tpu.memory_space<semaphore_mem>>) src(%arg15 : memref<112x128xf32, #tpu.memory_space<vmem>>) dst(%dma_wait3A_60 : memref<1152x128xf32, #tpu.memory_space<vmem_shared>>)
        tpu.yield
      }) : () -> ()
      %mul3A_41 = arith.constant 2 : i32
      %mul3A_42 = arith.muli %mul3A_41, %add3A_30 : i32
      %add3A_43 = arith.constant 1 : i32
      %add3A_44 = arith.addi %mul3A_42, %add3A_43 : i32
      %add3A_45 = arith.constant 1 : i32
      %add3A_46 = arith.addi %add3A_44, %add3A_45 : i32
      %lt3A_47 = arith.constant 46 : i32
      %lt3A_48 = arith.cmpi slt, %add3A_46, %lt3A_47 : i32
      %convert_element_type3A_49 = arith.extui %lt3A_48 : i1 to i32
      %cond3A_50 = arith.constant 0 : i32
      %cond3A_51 = arith.cmpi ne, %convert_element_type3A_49, %cond3A_50 : i32
      scf.if %cond3A_51 {
        %add3A_55 = arith.constant 1 : i32
        %add3A_56 = arith.addi %add3A_44, %add3A_55 : i32
        %mul3A_57 = arith.constant 112 : i32
        %mul3A_58 = arith.muli %add3A_56, %mul3A_57 : i32
        %add3A_59 = arith.addi %mul3A_17, %mul3A_58 : i32
        "tpu.region"() ({
          %run_scoped3A = tpu.sem_alloc : memref<!tpu.dma_semaphore, #tpu.memory_space<semaphore_mem>>
          %dma_start3A_63 = tpu.memref_slice %arg3[%add3A_59] : memref<164864xi32, #tpu.memory_space<hbm>> -> memref<112xi32, #tpu.memory_space<hbm>>
          %dma_start3A_64 = tpu.memref_slice %arg3[%add3A_59] : memref<164864xi32, #tpu.memory_space<hbm>> -> memref<112xi32, #tpu.memory_space<hbm>>
          tpu.enqueue_dma source(%dma_start3A_64 : memref<112xi32, #tpu.memory_space<hbm>>) target(%arg9 : memref<112xi32, #tpu.memory_space<vmem>>) target_semaphore(%run_scoped3A : memref<!tpu.dma_semaphore, #tpu.memory_space<semaphore_mem>>)
          %dma_wait3A_65 = tpu.memref_slice %arg3[%add3A_59] : memref<164864xi32, #tpu.memory_space<hbm>> -> memref<112xi32, #tpu.memory_space<hbm>>
          %dma_wait3A_66 = tpu.memref_slice %arg3[%add3A_59] : memref<164864xi32, #tpu.memory_space<hbm>> -> memref<112xi32, #tpu.memory_space<hbm>>
          tpu.wait_dma2 semaphore(%run_scoped3A : memref<!tpu.dma_semaphore, #tpu.memory_space<semaphore_mem>>) src(%dma_wait3A_66 : memref<112xi32, #tpu.memory_space<hbm>>) dst(%arg9 : memref<112xi32, #tpu.memory_space<vmem>>)
          tpu.yield
        }) : () -> ()
        "tpu.region"() ({
          %run_scoped3A = tpu.sem_alloc : memref<!tpu.dma_semaphore, #tpu.memory_space<semaphore_mem>>
          %dma_start3A_63 = tpu.memref_slice %arg4[%add3A_59] : memref<164864xi32, #tpu.memory_space<hbm>> -> memref<112xi32, #tpu.memory_space<hbm>>
          %dma_start3A_64 = tpu.memref_slice %arg4[%add3A_59] : memref<164864xi32, #tpu.memory_space<hbm>> -> memref<112xi32, #tpu.memory_space<hbm>>
          tpu.enqueue_dma source(%dma_start3A_64 : memref<112xi32, #tpu.memory_space<hbm>>) target(%arg11 : memref<112xi32, #tpu.memory_space<vmem>>) target_semaphore(%run_scoped3A : memref<!tpu.dma_semaphore, #tpu.memory_space<semaphore_mem>>)
          %dma_wait3A_65 = tpu.memref_slice %arg4[%add3A_59] : memref<164864xi32, #tpu.memory_space<hbm>> -> memref<112xi32, #tpu.memory_space<hbm>>
          %dma_wait3A_66 = tpu.memref_slice %arg4[%add3A_59] : memref<164864xi32, #tpu.memory_space<hbm>> -> memref<112xi32, #tpu.memory_space<hbm>>
          tpu.wait_dma2 semaphore(%run_scoped3A : memref<!tpu.dma_semaphore, #tpu.memory_space<semaphore_mem>>) src(%dma_wait3A_66 : memref<112xi32, #tpu.memory_space<hbm>>) dst(%arg11 : memref<112xi32, #tpu.memory_space<vmem>>)
          tpu.yield
        }) : () -> ()
        %dma_start3A_60 = arith.constant 0 : i32
        %dma_start3A_61 = arith.constant 0 : i32
        %dma_start3A_62 = tpu.memref_slice %arg2[%dma_start3A_60, %dma_start3A_61] : memref<5000x128xf32, #tpu.memory_space<hbm>> -> memref<5000x128xf32, #tpu.memory_space<hbm>>
        tpu.enqueue_indirect_dma source(%dma_start3A_62 : memref<5000x128xf32, #tpu.memory_space<hbm>>) target(%arg13 : memref<112x128xf32, #tpu.memory_space<vmem>>) offsets(%arg9 : memref<112xi32, #tpu.memory_space<vmem>>) semaphore(%arg16 : memref<!tpu.dma_semaphore, #tpu.memory_space<semaphore_mem>>)
      } else {
      }
      %dma_wait3A_52 = arith.constant 0 : i32
      %dma_wait3A_53 = arith.constant 0 : i32
      %dma_wait3A_54 = tpu.memref_slice %arg2[%dma_wait3A_52, %dma_wait3A_53] : memref<5000x128xf32, #tpu.memory_space<hbm>> -> memref<5000x128xf32, #tpu.memory_space<hbm>>
      tpu.wait_indirect_dma semaphore(%arg17 : memref<!tpu.dma_semaphore, #tpu.memory_space<semaphore_mem>>) src(%dma_wait3A_54 : memref<5000x128xf32, #tpu.memory_space<hbm>>) dst(%arg14 : memref<112x128xf32, #tpu.memory_space<vmem>>)
      "tpu.region"() ({
        %run_scoped3A = tpu.sem_alloc : memref<!tpu.dma_semaphore, #tpu.memory_space<semaphore_mem>>
        %dma_start3A_55 = arith.constant 0 : i32
        %dma_start3A_56 = arith.constant 0 : i32
        %dma_start3A_57 = tpu.memref_slice %arg7[%dma_start3A_55, %dma_start3A_56] : memref<1152x128xf32, #tpu.memory_space<vmem_shared>> -> memref<1152x128xf32, #tpu.memory_space<vmem_shared>>
        tpu.enqueue_indirect_dma source(%arg14 : memref<112x128xf32, #tpu.memory_space<vmem>>) target(%dma_start3A_57 : memref<1152x128xf32, #tpu.memory_space<vmem_shared>>) offsets(%arg12 : memref<112xi32, #tpu.memory_space<vmem>>) semaphore(%run_scoped3A : memref<!tpu.dma_semaphore, #tpu.memory_space<semaphore_mem>>) {add = true}
        %dma_wait3A_58 = arith.constant 0 : i32
        %dma_wait3A_59 = arith.constant 0 : i32
        %dma_wait3A_60 = tpu.memref_slice %arg7[%dma_wait3A_58, %dma_wait3A_59] : memref<1152x128xf32, #tpu.memory_space<vmem_shared>> -> memref<1152x128xf32, #tpu.memory_space<vmem_shared>>
        tpu.wait_indirect_dma semaphore(%run_scoped3A : memref<!tpu.dma_semaphore, #tpu.memory_space<semaphore_mem>>) src(%arg14 : memref<112x128xf32, #tpu.memory_space<vmem>>) dst(%dma_wait3A_60 : memref<1152x128xf32, #tpu.memory_space<vmem_shared>>)
        tpu.yield
      }) : () -> ()
      "tpu.region"() ({
        %run_scoped3A = tpu.sem_alloc : memref<!tpu.dma_semaphore, #tpu.memory_space<semaphore_mem>>
        %dma_start3A_55 = arith.constant 0 : i32
        %dma_start3A_56 = arith.constant 0 : i32
        %dma_start3A_57 = tpu.memref_slice %arg8[%dma_start3A_55, %dma_start3A_56] : memref<1152x128xf32, #tpu.memory_space<vmem_shared>> -> memref<1152x128xf32, #tpu.memory_space<vmem_shared>>
        tpu.enqueue_indirect_dma source(%arg15 : memref<112x128xf32, #tpu.memory_space<vmem>>) target(%dma_start3A_57 : memref<1152x128xf32, #tpu.memory_space<vmem_shared>>) offsets(%arg12 : memref<112xi32, #tpu.memory_space<vmem>>) semaphore(%run_scoped3A : memref<!tpu.dma_semaphore, #tpu.memory_space<semaphore_mem>>) {add = true}
        %dma_wait3A_58 = arith.constant 0 : i32
        %dma_wait3A_59 = arith.constant 0 : i32
        %dma_wait3A_60 = tpu.memref_slice %arg8[%dma_wait3A_58, %dma_wait3A_59] : memref<1152x128xf32, #tpu.memory_space<vmem_shared>> -> memref<1152x128xf32, #tpu.memory_space<vmem_shared>>
        tpu.wait_indirect_dma semaphore(%run_scoped3A : memref<!tpu.dma_semaphore, #tpu.memory_space<semaphore_mem>>) src(%arg15 : memref<112x128xf32, #tpu.memory_space<vmem>>) dst(%dma_wait3A_60 : memref<1152x128xf32, #tpu.memory_space<vmem_shared>>)
        tpu.yield
      }) : () -> ()
    }
    %scan3A_24 = arith.constant 23 : i32
    %barrier3A_25 = arith.constant 0 : index
    tpu.barrier barrier_id(%barrier3A_25)
    "tpu.region"() ({
      %run_scoped3A = tpu.sem_alloc : memref<!tpu.dma_semaphore, #tpu.memory_space<semaphore_mem>>
      %dma_start3A_26 = arith.constant 0 : i32
      %dma_start3A_27 = tpu.memref_slice %arg5[%arg0, %mul3A_9, %dma_start3A_26] : memref<2x1152x128xf32, #tpu.memory_space<hbm>> -> memref<1x72x128xf32, #tpu.memory_space<hbm>>
      %dma_start3A_28 = tpu.memref_squeeze %dma_start3A_27 : memref<1x72x128xf32, #tpu.memory_space<hbm>> -> memref<72x128xf32, #tpu.memory_space<hbm>>
      %dma_start3A_29 = arith.constant 0 : i32
      %dma_start3A_30 = tpu.memref_slice %arg7[%mul3A_9, %dma_start3A_29] : memref<1152x128xf32, #tpu.memory_space<vmem_shared>> -> memref<72x128xf32, #tpu.memory_space<vmem_shared>>
      tpu.enqueue_dma source(%dma_start3A_30 : memref<72x128xf32, #tpu.memory_space<vmem_shared>>) target(%dma_start3A_28 : memref<72x128xf32, #tpu.memory_space<hbm>>) target_semaphore(%run_scoped3A : memref<!tpu.dma_semaphore, #tpu.memory_space<semaphore_mem>>)
      %dma_wait3A = arith.constant 0 : i32
      %dma_wait3A_31 = tpu.memref_slice %arg5[%arg0, %mul3A_9, %dma_wait3A] : memref<2x1152x128xf32, #tpu.memory_space<hbm>> -> memref<1x72x128xf32, #tpu.memory_space<hbm>>
      %dma_wait3A_32 = tpu.memref_squeeze %dma_wait3A_31 : memref<1x72x128xf32, #tpu.memory_space<hbm>> -> memref<72x128xf32, #tpu.memory_space<hbm>>
      %dma_wait3A_33 = arith.constant 0 : i32
      %dma_wait3A_34 = tpu.memref_slice %arg7[%mul3A_9, %dma_wait3A_33] : memref<1152x128xf32, #tpu.memory_space<vmem_shared>> -> memref<72x128xf32, #tpu.memory_space<vmem_shared>>
      tpu.wait_dma2 semaphore(%run_scoped3A : memref<!tpu.dma_semaphore, #tpu.memory_space<semaphore_mem>>) src(%dma_wait3A_34 : memref<72x128xf32, #tpu.memory_space<vmem_shared>>) dst(%dma_wait3A_32 : memref<72x128xf32, #tpu.memory_space<hbm>>)
      tpu.yield
    }) : () -> ()
    "tpu.region"() ({
      %run_scoped3A = tpu.sem_alloc : memref<!tpu.dma_semaphore, #tpu.memory_space<semaphore_mem>>
      %dma_start3A_26 = arith.constant 0 : i32
      %dma_start3A_27 = tpu.memref_slice %arg6[%arg0, %mul3A_9, %dma_start3A_26] : memref<2x1152x128xf32, #tpu.memory_space<hbm>> -> memref<1x72x128xf32, #tpu.memory_space<hbm>>
      %dma_start3A_28 = tpu.memref_squeeze %dma_start3A_27 : memref<1x72x128xf32, #tpu.memory_space<hbm>> -> memref<72x128xf32, #tpu.memory_space<hbm>>
      %dma_start3A_29 = arith.constant 0 : i32
      %dma_start3A_30 = tpu.memref_slice %arg8[%mul3A_9, %dma_start3A_29] : memref<1152x128xf32, #tpu.memory_space<vmem_shared>> -> memref<72x128xf32, #tpu.memory_space<vmem_shared>>
      tpu.enqueue_dma source(%dma_start3A_30 : memref<72x128xf32, #tpu.memory_space<vmem_shared>>) target(%dma_start3A_28 : memref<72x128xf32, #tpu.memory_space<hbm>>) target_semaphore(%run_scoped3A : memref<!tpu.dma_semaphore, #tpu.memory_space<semaphore_mem>>)
      %dma_wait3A = arith.constant 0 : i32
      %dma_wait3A_31 = tpu.memref_slice %arg6[%arg0, %mul3A_9, %dma_wait3A] : memref<2x1152x128xf32, #tpu.memory_space<hbm>> -> memref<1x72x128xf32, #tpu.memory_space<hbm>>
      %dma_wait3A_32 = tpu.memref_squeeze %dma_wait3A_31 : memref<1x72x128xf32, #tpu.memory_space<hbm>> -> memref<72x128xf32, #tpu.memory_space<hbm>>
      %dma_wait3A_33 = arith.constant 0 : i32
      %dma_wait3A_34 = tpu.memref_slice %arg8[%mul3A_9, %dma_wait3A_33] : memref<1152x128xf32, #tpu.memory_space<vmem_shared>> -> memref<72x128xf32, #tpu.memory_space<vmem_shared>>
      tpu.wait_dma2 semaphore(%run_scoped3A : memref<!tpu.dma_semaphore, #tpu.memory_space<semaphore_mem>>) src(%dma_wait3A_34 : memref<72x128xf32, #tpu.memory_space<vmem_shared>>) dst(%dma_wait3A_32 : memref<72x128xf32, #tpu.memory_space<hbm>>)
      tpu.yield
    }) : () -> ()
    return
  }
}

module attributes {stable_mosaic.version = 14 : i64} {
  func.func @body(%arg0: i32, %arg1: memref<2x1000x128xf32, #tpu.memory_space<vmem>>, %arg2: memref<2x1000x128xf32, #tpu.memory_space<vmem>>, %arg3: memref<1000x128xf32, #tpu.memory_space<vmem>>, %arg4: memref<128x128xf32, #tpu.memory_space<vmem>>, %arg5: memref<1x128xf32, #tpu.memory_space<vmem>>, %arg6: memref<128x128xf32, #tpu.memory_space<vmem>>, %arg7: memref<1000x128xf32, #tpu.memory_space<vmem>>) attributes {dimension_semantics = [#tpu.dimension_semantics<arbitrary>], iteration_bounds = array<i64: 5>, scalar_prefetch = 0 : i64, scratch_operands = 0 : i64, tpu.core_type = #tpu.core_type<tc>, window_params = [{transform_indices = @transform_0, window_bounds = array<i64: 2, 1000, 128>}, {transform_indices = @transform_1, window_bounds = array<i64: 2, 1000, 128>}, {transform_indices = @transform_2, window_bounds = array<i64: 1000, 128>}, {pipeline_mode = #tpu.pipeline_mode<synchronous>, transform_indices = @transform_3, window_bounds = array<i64: 128, 128>}, {pipeline_mode = #tpu.pipeline_mode<synchronous>, transform_indices = @transform_4, window_bounds = array<i64: 1, 128>}, {pipeline_mode = #tpu.pipeline_mode<synchronous>, transform_indices = @transform_5, window_bounds = array<i64: 128, 128>}, {transform_indices = @transform_6, window_bounds = array<i64: 1000, 128>}]} {
    %get3A = arith.constant 0 : index
    %get3A_0 = arith.constant 0 : index
    %get3A_1 = arith.constant 0 : index
    %get3A_2 = vector.load %arg2[%get3A, %get3A_0, %get3A_1] : memref<2x1000x128xf32, #tpu.memory_space<vmem>>, vector<1x1000x1xf32>
    %get3A_3 = vector.shape_cast %get3A_2 : vector<1x1000x1xf32> to vector<1000x1xf32>
    %get3A_4 = arith.constant 1 : index
    %get3A_5 = arith.constant 0 : index
    %get3A_6 = arith.constant 0 : index
    %get3A_7 = vector.load %arg2[%get3A_4, %get3A_5, %get3A_6] : memref<2x1000x128xf32, #tpu.memory_space<vmem>>, vector<1x1000x1xf32>
    %get3A_8 = vector.shape_cast %get3A_7 : vector<1x1000x1xf32> to vector<1000x1xf32>
    %add3A = arith.addf %get3A_3, %get3A_8 : vector<1000x1xf32>
    %max3A = arith.constant 1.000000e+00 : f32
    %max3A_9 = vector.broadcast %max3A : f32 to vector<1000x1xf32>
    %max3A_10 = arith.maximumf %add3A, %max3A_9 : vector<1000x1xf32>
    %get3A_11 = arith.constant 0 : index
    %get3A_12 = arith.constant 0 : index
    %get3A_13 = arith.constant 0 : index
    %get3A_14 = vector.load %arg1[%get3A_11, %get3A_12, %get3A_13] : memref<2x1000x128xf32, #tpu.memory_space<vmem>>, vector<1x1000x128xf32>
    %get3A_15 = vector.shape_cast %get3A_14 : vector<1x1000x128xf32> to vector<1000x128xf32>
    %get3A_16 = arith.constant 1 : index
    %get3A_17 = arith.constant 0 : index
    %get3A_18 = arith.constant 0 : index
    %get3A_19 = vector.load %arg1[%get3A_16, %get3A_17, %get3A_18] : memref<2x1000x128xf32, #tpu.memory_space<vmem>>, vector<1x1000x128xf32>
    %get3A_20 = vector.shape_cast %get3A_19 : vector<1x1000x128xf32> to vector<1000x128xf32>
    %add3A_21 = arith.addf %get3A_15, %get3A_20 : vector<1000x128xf32>
    %div3A = vector.broadcast %max3A_10 : vector<1000x1xf32> to vector<1000x128xf32>
    %div3A_22 = arith.divf %add3A_21, %div3A : vector<1000x128xf32>
    %get3A_23 = arith.constant 0 : index
    %get3A_24 = arith.constant 0 : index
    %get3A_25 = vector.load %arg4[%get3A_23, %get3A_24] : memref<128x128xf32, #tpu.memory_space<vmem>>, vector<128x128xf32>
    %dot_general3A = arith.constant dense<0.000000e+00> : vector<1000x128xf32>
    %dot_general3A_26 = tpu.matmul %div3A_22, %get3A_25, %dot_general3A {dimension_numbers = #tpu.dot_dimension_numbers<[1], [0], [0], [1], [0, 0, 1, 1], [], []>, transpose_lhs_hint = false} : vector<1000x128xf32>, vector<128x128xf32>, vector<1000x128xf32> -> vector<1000x128xf32>
    %get3A_27 = arith.constant 0 : index
    %get3A_28 = arith.constant 0 : index
    %get3A_29 = vector.load %arg5[%get3A_27, %get3A_28] : memref<1x128xf32, #tpu.memory_space<vmem>>, vector<1x128xf32>
    %add3A_30 = vector.broadcast %get3A_29 : vector<1x128xf32> to vector<1000x128xf32>
    %add3A_31 = arith.addf %dot_general3A_26, %add3A_30 : vector<1000x128xf32>
    %get3A_32 = arith.constant 0 : index
    %get3A_33 = arith.constant 0 : index
    %get3A_34 = vector.load %arg3[%get3A_32, %get3A_33] : memref<1000x128xf32, #tpu.memory_space<vmem>>, vector<1000x128xf32>
    %get3A_35 = arith.constant 0 : index
    %get3A_36 = arith.constant 0 : index
    %get3A_37 = vector.load %arg6[%get3A_35, %get3A_36] : memref<128x128xf32, #tpu.memory_space<vmem>>, vector<128x128xf32>
    %dot_general3A_38 = arith.constant dense<0.000000e+00> : vector<1000x128xf32>
    %dot_general3A_39 = tpu.matmul %get3A_34, %get3A_37, %dot_general3A_38 {dimension_numbers = #tpu.dot_dimension_numbers<[1], [0], [0], [1], [0, 0, 1, 1], [], []>, transpose_lhs_hint = false} : vector<1000x128xf32>, vector<128x128xf32>, vector<1000x128xf32> -> vector<1000x128xf32>
    %add3A_40 = arith.addf %add3A_31, %dot_general3A_39 : vector<1000x128xf32>
    %max3A_41 = arith.constant 0.000000e+00 : f32
    %max3A_42 = vector.broadcast %max3A_41 : f32 to vector<1000x128xf32>
    %max3A_43 = arith.maximumf %add3A_40, %max3A_42 : vector<1000x128xf32>
    %swap3A = arith.constant 0 : index
    %swap3A_44 = arith.constant 0 : index
    %swap3A_45 = vector.load %arg7[%swap3A, %swap3A_44] : memref<1000x128xf32, #tpu.memory_space<vmem>>, vector<1000x128xf32>
    tpu.vector_store %arg7[%swap3A, %swap3A_44], %max3A_43 {strides = array<i32>} : memref<1000x128xf32, #tpu.memory_space<vmem>>, vector<1000x128xf32>,
    return
  }
  func.func @transform_0(%arg0: i32) -> (i32, i32, i32) {
    %c0_i32 = arith.constant 0 : i32
    %c0_i32_0 = arith.constant 0 : i32
    %c0_i32_1 = arith.constant 0 : i32
    return %c0_i32, %arg0, %c0_i32_0 : i32, i32, i32
  }
  func.func @transform_1(%arg0: i32) -> (i32, i32, i32) {
    %c0_i32 = arith.constant 0 : i32
    %c0_i32_0 = arith.constant 0 : i32
    %c0_i32_1 = arith.constant 0 : i32
    return %c0_i32, %arg0, %c0_i32_0 : i32, i32, i32
  }
  func.func @transform_2(%arg0: i32) -> (i32, i32) {
    %c0_i32 = arith.constant 0 : i32
    %c0_i32_0 = arith.constant 0 : i32
    return %arg0, %c0_i32 : i32, i32
  }
  func.func @transform_3(%arg0: i32) -> (i32, i32) {
    %c0_i32 = arith.constant 0 : i32
    %c0_i32_0 = arith.constant 0 : i32
    %c0_i32_1 = arith.constant 0 : i32
    return %c0_i32, %c0_i32_0 : i32, i32
  }
  func.func @transform_4(%arg0: i32) -> (i32, i32) {
    %c0_i32 = arith.constant 0 : i32
    %c0_i32_0 = arith.constant 0 : i32
    %c0_i32_1 = arith.constant 0 : i32
    return %c0_i32, %c0_i32_0 : i32, i32
  }
  func.func @transform_5(%arg0: i32) -> (i32, i32) {
    %c0_i32 = arith.constant 0 : i32
    %c0_i32_0 = arith.constant 0 : i32
    %c0_i32_1 = arith.constant 0 : i32
    return %c0_i32, %c0_i32_0 : i32, i32
  }
  func.func @transform_6(%arg0: i32) -> (i32, i32) {
    %c0_i32 = arith.constant 0 : i32
    %c0_i32_0 = arith.constant 0 : i32
    return %arg0, %c0_i32 : i32, i32
  }
}

module attributes {stable_mosaic.version = 14 : i64} {
  func.func @body(%arg0: i32, %arg1: memref<2x1024x128xf32, #tpu.memory_space<vmem>>, %arg2: memref<2x1024x128xf32, #tpu.memory_space<vmem>>, %arg3: memref<1024x128xf32, #tpu.memory_space<vmem>>, %arg4: memref<128x128xf32, #tpu.memory_space<vmem>>, %arg5: memref<1x128xf32, #tpu.memory_space<vmem>>, %arg6: memref<128x128xf32, #tpu.memory_space<vmem>>, %arg7: memref<1024x128xf32, #tpu.memory_space<vmem>>) attributes {dimension_semantics = [#tpu.dimension_semantics<arbitrary>], iteration_bounds = array<i64: 1>, scalar_prefetch = 0 : i64, scratch_operands = 0 : i64, tpu.core_type = #tpu.core_type<tc>, window_params = [{transform_indices = @transform_0, window_bounds = array<i64: 2, 1024, 128>}, {transform_indices = @transform_1, window_bounds = array<i64: 2, 1024, 128>}, {transform_indices = @transform_2, window_bounds = array<i64: 1024, 128>}, {pipeline_mode = #tpu.pipeline_mode<synchronous>, transform_indices = @transform_3, window_bounds = array<i64: 128, 128>}, {pipeline_mode = #tpu.pipeline_mode<synchronous>, transform_indices = @transform_4, window_bounds = array<i64: 1, 128>}, {pipeline_mode = #tpu.pipeline_mode<synchronous>, transform_indices = @transform_5, window_bounds = array<i64: 128, 128>}, {transform_indices = @transform_6, window_bounds = array<i64: 1024, 128>}]} {
    %get3A = arith.constant 0 : index
    %get3A_0 = arith.constant 0 : index
    %get3A_1 = arith.constant 0 : index
    %get3A_2 = vector.load %arg2[%get3A, %get3A_0, %get3A_1] : memref<2x1024x128xf32, #tpu.memory_space<vmem>>, vector<1x1024x1xf32>
    %get3A_3 = vector.shape_cast %get3A_2 : vector<1x1024x1xf32> to vector<1024x1xf32>
    %get3A_4 = arith.constant 1 : index
    %get3A_5 = arith.constant 0 : index
    %get3A_6 = arith.constant 0 : index
    %get3A_7 = vector.load %arg2[%get3A_4, %get3A_5, %get3A_6] : memref<2x1024x128xf32, #tpu.memory_space<vmem>>, vector<1x1024x1xf32>
    %get3A_8 = vector.shape_cast %get3A_7 : vector<1x1024x1xf32> to vector<1024x1xf32>
    %add3A = arith.addf %get3A_3, %get3A_8 : vector<1024x1xf32>
    %max3A = arith.constant 1.000000e+00 : f32
    %max3A_9 = vector.broadcast %max3A : f32 to vector<1024x1xf32>
    %max3A_10 = arith.maximumf %add3A, %max3A_9 : vector<1024x1xf32>
    %get3A_11 = arith.constant 0 : index
    %get3A_12 = arith.constant 0 : index
    %get3A_13 = arith.constant 0 : index
    %get3A_14 = vector.load %arg1[%get3A_11, %get3A_12, %get3A_13] : memref<2x1024x128xf32, #tpu.memory_space<vmem>>, vector<1x1024x128xf32>
    %get3A_15 = vector.shape_cast %get3A_14 : vector<1x1024x128xf32> to vector<1024x128xf32>
    %get3A_16 = arith.constant 1 : index
    %get3A_17 = arith.constant 0 : index
    %get3A_18 = arith.constant 0 : index
    %get3A_19 = vector.load %arg1[%get3A_16, %get3A_17, %get3A_18] : memref<2x1024x128xf32, #tpu.memory_space<vmem>>, vector<1x1024x128xf32>
    %get3A_20 = vector.shape_cast %get3A_19 : vector<1x1024x128xf32> to vector<1024x128xf32>
    %add3A_21 = arith.addf %get3A_15, %get3A_20 : vector<1024x128xf32>
    %div3A = vector.broadcast %max3A_10 : vector<1024x1xf32> to vector<1024x128xf32>
    %div3A_22 = arith.divf %add3A_21, %div3A : vector<1024x128xf32>
    %get3A_23 = arith.constant 0 : index
    %get3A_24 = arith.constant 0 : index
    %get3A_25 = vector.load %arg4[%get3A_23, %get3A_24] : memref<128x128xf32, #tpu.memory_space<vmem>>, vector<128x128xf32>
    %dot_general3A = arith.constant dense<0.000000e+00> : vector<1024x128xf32>
    %dot_general3A_26 = tpu.matmul %div3A_22, %get3A_25, %dot_general3A {dimension_numbers = #tpu.dot_dimension_numbers<[1], [0], [0], [1], [0, 0, 1, 1], [], []>, transpose_lhs_hint = false} : vector<1024x128xf32>, vector<128x128xf32>, vector<1024x128xf32> -> vector<1024x128xf32>
    %get3A_27 = arith.constant 0 : index
    %get3A_28 = arith.constant 0 : index
    %get3A_29 = vector.load %arg5[%get3A_27, %get3A_28] : memref<1x128xf32, #tpu.memory_space<vmem>>, vector<1x128xf32>
    %add3A_30 = vector.broadcast %get3A_29 : vector<1x128xf32> to vector<1024x128xf32>
    %add3A_31 = arith.addf %dot_general3A_26, %add3A_30 : vector<1024x128xf32>
    %get3A_32 = arith.constant 0 : index
    %get3A_33 = arith.constant 0 : index
    %get3A_34 = vector.load %arg3[%get3A_32, %get3A_33] : memref<1024x128xf32, #tpu.memory_space<vmem>>, vector<1024x128xf32>
    %get3A_35 = arith.constant 0 : index
    %get3A_36 = arith.constant 0 : index
    %get3A_37 = vector.load %arg6[%get3A_35, %get3A_36] : memref<128x128xf32, #tpu.memory_space<vmem>>, vector<128x128xf32>
    %dot_general3A_38 = arith.constant dense<0.000000e+00> : vector<1024x128xf32>
    %dot_general3A_39 = tpu.matmul %get3A_34, %get3A_37, %dot_general3A_38 {dimension_numbers = #tpu.dot_dimension_numbers<[1], [0], [0], [1], [0, 0, 1, 1], [], []>, transpose_lhs_hint = false} : vector<1024x128xf32>, vector<128x128xf32>, vector<1024x128xf32> -> vector<1024x128xf32>
    %add3A_40 = arith.addf %add3A_31, %dot_general3A_39 : vector<1024x128xf32>
    %reduce_max3A = arith.constant dense<0xFF800000> : vector<1024xf32>
    %reduce_max3A_41 = vector.multi_reduction <maximumf>, %add3A_40, %reduce_max3A [1] : vector<1024x128xf32> to vector<1024xf32>
    %broadcast_in_dim3A = vector.shape_cast %reduce_max3A_41 : vector<1024xf32> to vector<1024x1xf32>
    %sub3A = vector.broadcast %broadcast_in_dim3A : vector<1024x1xf32> to vector<1024x128xf32>
    %sub3A_42 = arith.subf %add3A_40, %sub3A : vector<1024x128xf32>
    %exp3A = math.exp %sub3A_42 : vector<1024x128xf32>
    %reduce_sum3A = arith.constant dense<0.000000e+00> : vector<1024xf32>
    %reduce_sum3A_43 = vector.multi_reduction <add>, %exp3A, %reduce_sum3A [1] : vector<1024x128xf32> to vector<1024xf32>
    %broadcast_in_dim3A_44 = vector.shape_cast %reduce_sum3A_43 : vector<1024xf32> to vector<1024x1xf32>
    %log3A = math.log %broadcast_in_dim3A_44 : vector<1024x1xf32>
    %add3A_45 = arith.addf %log3A, %broadcast_in_dim3A : vector<1024x1xf32>
    %sub3A_46 = vector.broadcast %add3A_45 : vector<1024x1xf32> to vector<1024x128xf32>
    %sub3A_47 = arith.subf %add3A_40, %sub3A_46 : vector<1024x128xf32>
    %swap3A = arith.constant 0 : index
    %swap3A_48 = arith.constant 0 : index
    %swap3A_49 = vector.load %arg7[%swap3A, %swap3A_48] : memref<1024x128xf32, #tpu.memory_space<vmem>>, vector<1024x128xf32>
    tpu.vector_store %arg7[%swap3A, %swap3A_48], %sub3A_47 {strides = array<i32>} : memref<1024x128xf32, #tpu.memory_space<vmem>>, vector<1024x128xf32>,
    return
  }
  func.func @transform_0(%arg0: i32) -> (i32, i32, i32) {
    %c0_i32 = arith.constant 0 : i32
    %c0_i32_0 = arith.constant 0 : i32
    %c0_i32_1 = arith.constant 0 : i32
    return %c0_i32, %arg0, %c0_i32_0 : i32, i32, i32
  }
  func.func @transform_1(%arg0: i32) -> (i32, i32, i32) {
    %c0_i32 = arith.constant 0 : i32
    %c0_i32_0 = arith.constant 0 : i32
    %c0_i32_1 = arith.constant 0 : i32
    return %c0_i32, %arg0, %c0_i32_0 : i32, i32, i32
  }
  func.func @transform_2(%arg0: i32) -> (i32, i32) {
    %c0_i32 = arith.constant 0 : i32
    %c0_i32_0 = arith.constant 0 : i32
    return %arg0, %c0_i32 : i32, i32
  }
  func.func @transform_3(%arg0: i32) -> (i32, i32) {
    %c0_i32 = arith.constant 0 : i32
    %c0_i32_0 = arith.constant 0 : i32
    %c0_i32_1 = arith.constant 0 : i32
    return %c0_i32, %c0_i32_0 : i32, i32
  }
  func.func @transform_4(%arg0: i32) -> (i32, i32) {
    %c0_i32 = arith.constant 0 : i32
    %c0_i32_0 = arith.constant 0 : i32
    %c0_i32_1 = arith.constant 0 : i32
    return %c0_i32, %c0_i32_0 : i32, i32
  }
  func.func @transform_5(%arg0: i32) -> (i32, i32) {
    %c0_i32 = arith.constant 0 : i32
    %c0_i32_0 = arith.constant 0 : i32
    %c0_i32_1 = arith.constant 0 : i32
    return %c0_i32, %c0_i32_0 : i32, i32
  }
  func.func @transform_6(%arg0: i32) -> (i32, i32) {
    %c0_i32 = arith.constant 0 : i32
    %c0_i32_0 = arith.constant 0 : i32
    return %arg0, %c0_i32 : i32, i32
  }
}

</mosaic_0001>

<sc_bundles>
// kernel: kernel.6.cloned.1.call-start
scs
__scs_entry_jumppad:
0x0: {  	(pc) =	sbr.rel $0x88, $3  }
0x1: {  	(tag) =	ssettag $0x0;
	lr =	simm.s32 $0x1  }
0x2: {  	[smem:$0x3F96] =	sst lr;
	_ =	strace $0xD0000000  }
0x3: {  	_ = 	snop  }
0x4: {  	_ = 	snop  }
0x5: {  	_ = 	snop  }
0x6: {  	_ = 	snop  }
0x7: {  	_ = 	snop  }
__scs_overlays_trampoline_lowered:
0x8: {  	[smem:$0x3FA5] =	sst s0  }
0x9: {  	[smem:$0x3FA6] =	sst s1  }
0xa: {  	[smem:$0x3FA7] =	sst s2  }
0xb: {  	[smem:$0x3FA8] =	sst s3  }
0xc: {  	[smem:$0x3FA9] =	sst s4  }
0xd: {  	[smem:$0x3FAA] =	sst s5  }
0xe: {  	[smem:$0x3FAB] =	sst s6  }
0xf: {  	[smem:$0x3FAC] =	sst s7  }
0x10: {  	[smem:$0x3FAD] =	sst s8  }
0x11: {  	[smem:$0x3FAE] =	sst s9;
	s0 =	simm.s32 @!p0 $0x0  }
0x12: {  	s1 =	sld [smem:$0x3F94];
	s0 =	simm.s32 @p0 $0x1  }
0x13: {  	[smem:$0x3FAF] =	sst s0;
	s0 =	simm.s32 @!p1 $0x0  }
0x14: {  	s2 =	sld [smem:$0x3F93];
	s0 =	simm.s32 @p1 $0x1  }
0x15: {  	[smem:$0x3FB0] =	sst s0;
	s0 =	simm.s32 @!p2 $0x0  }
0x16: {  	s3 =	sld [smem:$0x3FDB];
	s0 =	simm.s32 @p2 $0x1  }
0x17: {  	s4 =	simm.s32 $0x1BF5;
	[smem:$0x3FB2] =	sst s0  }
0x18: {  	s0 =	sld [smem:$0x3F95];
	_ =	swait.ge [sflag:s4], $0x0  }
0x19: {  	s7 =	sld [smem:$0x3F96]  }
0x1a: {  	s8 =	sadd.s32 $0xFFFFE003, lr  }
0x1b: {  	s9 =	sadd.s32 $0xFFFFFEF7, lr;
	s5 =	simm.s32 $0xFFFFFFFF;
	p2 =	slt.u32 s8, $0xFFFFF086  }
0x1c: {  	p1 =	slt.u32 s9, $0xF7A;
	s5 =	simm.s32 @!p2 $0x0  }
0x1d: {  	s5 =	simm.s32 @p1 $0x1;
	p0 =	seq.s32 s7, s2  }
0x1e: {  	s7 =	smul.u32 @!p0 $0xF7A, s2;
	p2 =	seq.s32 @!p0 s5, $0x0  }
0x1f: {  	s9 =	smul.u32 $0xF7A, s1;
	s8 =	simm.s32 @!p0 $0x1BF5;
	p2 =	por !p2, p0  }
0x20: {  	[sflag:s8] =	ssyncset.s32 @!p0 $0xFFFFF086;
	s6 =	sadd.s32 @!p0 s3, s7;
	s7 =	simm.s32 @!p0 $0x108  }
0x21: {  	s3 =	sadd.s32 s3, s9;
	s6 =	sadd.s32 @!p0 $0x88, s6;
	s7 =	simm.s32 @p2 $0x1082  }
0x22: {  	[simem:s7], [sflag:s8] =	dma.local @!p0 [hbm:s6], $0xF7A  }
0x23: {  	s9 =	sor.u32 $0xD0000000, s2;
	s6 =	simm.s32 $0x108;
	_ =	swait.ge @!p0 [sflag:s8], $0x0  }
0x24: {  	s3 =	sadd.s32 $0x88, s3;
	s6 =	simm.s32 @!p1 $0x1082;
	[sflag:s4] =	ssyncset.s32 $0xFFFFF086  }
0x25: {  	[simem:s6], [sflag:s4] =	dma.local [hbm:s3], $0xF7A  }
0x26: {  	[smem:$0x3F96] =	sst s1;
	(tag) =	ssettag s2;
	_ =	strace s9  }
0x27: {  	s1 =	sld [smem:$0x3FA6]  }
0x28: {  	s2 =	sld [smem:$0x3FA7]  }
0x29: {  	s4 =	sld [smem:$0x3FA9]  }
0x2a: {  	p0 =	seq.s32 s5, $0x0;
	s5 =	sld [smem:$0x3FAA]  }
0x2b: {  	s6 =	sld [smem:$0x3FAB]  }
0x2c: {  	s7 =	sld [smem:$0x3FAC]  }
0x2d: {  	s3 =	simm.s32 $0x108;
	s8 =	sld [smem:$0x3FAD]  }
0x2e: {  	s3 =	simm.s32 @!p0 $0x1082;
	s9 =	sld [smem:$0x3FAE]  }
0x2f: {  	lr =	sadd.s32 s0, s3;
	s0 =	sld [smem:$0x3FA5]  }
0x30: {  	s3 =	sld [smem:$0x3FA8]  }
0x31: {  	[smem:$0x3FB1] =	sst s10  }
0x32: {  	s10 =	sld [smem:$0x3FAF];
	_ =	sdelay $0x3  }
0x33: {  	p0 =	seq.s32 s10, $0x1;
	s10 =	sld [smem:$0x3FB1];
	_ =	sdelay $0x3  }
0x34: {  	[smem:$0x3FB1] =	sst s10  }
0x35: {  	s10 =	sld [smem:$0x3FB0];
	_ =	sdelay $0x3  }
0x36: {  	p1 =	seq.s32 s10, $0x1;
	s10 =	sld [smem:$0x3FB1];
	_ =	sdelay $0x3  }
0x37: {  	[smem:$0x3FB1] =	sst s10  }
0x38: {  	s10 =	sld [smem:$0x3FB2]  }
0x39: {  	_ = 	snop;
	(pc) =	sbr.ind lr, $3  }
0x3a: {  	_ = 	snop  }
0x3b: {  	_ = 	snop  }
0x3c: {  	p2 =	seq.s32 s10, $0x1;
	s10 =	sld [smem:$0x3FB1]  }
0x3d: {  	_ =	shalt  }
0x3e: {  	_ =	shalt  }
0x3f: {  	_ =	shalt  }
0x40: {  	_ =	shalt  }
0x41: {  	_ =	shalt  }
0x42: {  	_ =	shalt  }
0x43: {  	_ =	shalt  }
0x44: {  	_ =	shalt  }
0x45: {  	_ =	shalt  }
0x46: {  	_ =	shalt  }
0x47: {  	_ =	shalt  }
0x48: {  	_ =	shalt  }
0x49: {  	_ =	shalt  }
0x4a: {  	_ =	shalt  }
0x4b: {  	_ =	shalt  }
0x4c: {  	_ =	shalt  }
0x4d: {  	_ =	shalt  }
0x4e: {  	_ =	shalt  }
0x4f: {  	_ =	shalt  }
0x50: {  	_ =	shalt  }
0x51: {  	_ =	shalt  }
0x52: {  	_ =	shalt  }
0x53: {  	_ =	shalt  }
0x54: {  	_ =	shalt  }
0x55: {  	_ =	shalt  }
0x56: {  	_ =	shalt  }
0x57: {  	_ =	shalt  }
0x58: {  	_ =	shalt  }
0x59: {  	_ =	shalt  }
0x5a: {  	_ =	shalt  }
0x5b: {  	_ =	shalt  }
0x5c: {  	_ =	shalt  }
0x5d: {  	_ =	shalt  }
0x5e: {  	_ =	shalt  }
0x5f: {  	_ =	shalt  }
0x60: {  	_ =	shalt  }
0x61: {  	_ =	shalt  }
0x62: {  	_ =	shalt  }
0x63: {  	_ =	shalt  }
0x64: {  	_ =	shalt  }
0x65: {  	_ =	shalt  }
0x66: {  	_ =	shalt  }
0x67: {  	_ =	shalt  }
0x68: {  	_ =	shalt  }
0x69: {  	_ =	shalt  }
0x6a: {  	_ =	shalt  }
0x6b: {  	_ =	shalt  }
0x6c: {  	_ =	shalt  }
0x6d: {  	_ =	shalt  }
0x6e: {  	_ =	shalt  }
0x6f: {  	_ =	shalt  }
0x70: {  	_ =	shalt  }
0x71: {  	_ =	shalt  }
0x72: {  	_ =	shalt  }
0x73: {  	_ =	shalt  }
0x74: {  	_ =	shalt  }
0x75: {  	_ =	shalt  }
0x76: {  	_ =	shalt  }
0x77: {  	_ =	shalt  }
0x78: {  	_ =	shalt  }
0x79: {  	_ =	shalt  }
0x7a: {  	_ =	shalt  }
0x7b: {  	_ =	shalt  }
0x7c: {  	_ =	shalt  }
0x7d: {  	_ =	shalt  }
0x7e: {  	_ =	shalt  }
0x7f: {  	_ =	shalt  }
0x80: {  	_ =	shalt  }
0x81: {  	_ =	shalt  }
0x82: {  	_ =	shalt  }
0x83: {  	_ =	shalt  }
0x84: {  	_ =	shalt  }
0x85: {  	_ =	shalt  }
0x86: {  	_ =	shalt  }
0x87: {  	_ =	shalt  }
.Lfunc_end0:
.L_simem_size_0:
called_computation_lowered:
.L_overlay_start_0:
0x88: {  	s2 =	sld [smem:$0x3FD9]  }
0x89: {  	s3 =	sld [smem:$0x3FFE];
	_ =	sdelay $0x1  }
0x8a: {  	s1 =	srdreg.scid  }
0x8b: {  	s0 =	sand.u32 $0x1, s1  }
0x8c: {  	s17 =	sshll.u32 s0, $0xA;
	s2 =	sadd.s32 s3, s2  }
0x8d: {  	s2 =	sadd.s32 s2, s17  }
0x8e: {  	[smem:$0x3FBD] =	sst s2  }
0x8f: {  	_ = 	snop  }
0x90: {  	s2 =	sld [smem:$0x3FC9];
	(tm) =	ssettm $0x1  }
0x91: {  	s18 =	sld [smem:$0x3FFB];
	_ =	sdelay $0x3  }
0x92: {  	_ =	strace s18  }
0x93: {  	s3 =	sld [smem:$0x3FFC];
	_ =	sdelay $0x3  }
0x94: {  	_ =	strace s3  }
0x95: {  	s3 =	sld [smem:$0x3FFD];
	_ =	sdelay $0x3  }
0x96: {  	_ =	strace s3  }
0x97: {  	_ =	strace $0x8FFFFFFF  }
0x98: {  	s19 =	sld [smem:$0x3FDB];
	_ =	sdelay $0x1  }
0x99: {  	s4 =	simm.s32 $_scs_section_size  }
0x9a: {  	s5 =	simm.s32 $_size__tile_overlayer_lowered;
	s6 =	simm.s32 $_tile_overlayer_lowered  }
0x9b: {  	s22 =	simm.s32 $0x1BFF;
	s21 =	sshll.u32 s6, $0x1;
	s3 =	sadd.s32 s4, s19  }
0x9c: {  	s7 =	simm.s32 $0x0;
	s20 =	sshll.u32 s5, $0x1;
	s5 =	sadd.s32 s21, s3  }
0x9d: {  	[timem:s7], [sflag:s22] =	dma.local [hbm:s5], s20  }
0x9e: {  	_ =	swait.ge [sflag:s22], s20  }
0x9f: {  	s4 =	ssub.s32 $0x0, s20;
	[sflag:s22] =	ssyncset.done $0x0  }
0xa0: {  	[sflag:s22] =	ssyncadd.s32 s4;
	_ =	sdelay $0x1  }
0xa1: {  	s23 =	simm.s32 $0x1B8B  }
0xa2: {  	_ =	swait.ge [sflag:s23], $0x1  }
0xa3: {  	[sflag:s23] =	ssyncset.done $0x0  }
0xa4: {  	s25 =	simm.s32 $0x1B8E;
	s24 =	sld [smem:$0x3FFE];
	[sflag:s23] =	ssyncadd.s32 $0xFFFFFFFF  }
0xa5: {  	s26 =	simm.s32 $execute0_lowered;
	[smem:$0x3FD2] =	sst s25  }
0xa6: {  	s5 =	sshll.u32 s26, $0x1;
	_ =	strace $0x80000046;
	[dreg:$0x1] =	wrdreg $0xFFFFFFFF  }
0xa7: {  	s28 =	simm.s32 $_size_execute0_lowered;
	s3 =	sadd.s32 s3, s5;
	[dreg:$0x0] =	wrdreg $0x0  }
0xa8: {  	s5 =	sshll.u32 s28, $0x1;
	[dreg:$0x2] =	wrdreg s3  }
0xa9: {  	[dreg:$0x3] =	wrdreg s5  }
0xaa: {  	[dreg:$0x4] =	wrdreg $0xC0  }
0xab: {  	_ =	task [dreg:s7], $0x5FFFF  }
0xac: {  	[dreg:$0x1] =	wrdreg $0xFFFFFFFF  }
0xad: {  	[dreg:$0x0] =	wrdreg $0x60  }
0xae: {  	[dreg:$0x2] =	wrdreg s2  }
0xaf: {  	[dreg:$0x3] =	wrdreg s24  }
0xb0: {  	[dreg:$0x4] =	wrdreg $0x0  }
0xb1: {  	[dreg:$0x5] =	wrdreg $0xA0000  }
0xb2: {  	[dreg:$0x6] =	wrdreg $0x9  }
0xb3: {  	_ =	task.clear_ibuf [dreg:s7], $0x7FFFF;
	_ =	strace $0x90000046  }
0xb4: {  	s29 =	simm.s32 $0x9;
	_ =	strace $0x80000048  }
0xb5: {  	_ =	swait.ge [sflag:s29], $0x1  }
0xb6: {  	[sflag:s29] =	ssyncadd.s32 $0xFFFFFFFF  }
0xb7: {  	_ =	strace $0x90000048  }
0xb8: {  	_ =	sfence  }
0xb9: {  	s30 =	sld [smem:$0x0];
	_ =	sdelay $0x2  }
0xba: {  	s31 =	sshll.u32 s1, $0xD;
	s1 =	sshrl.u32 s1, $0x2  }
0xbb: {  	s3 =	sand.u32 $0x4000, s31;
	s1 =	sadd.s32 s1, s30  }
0xbc: {  	s0 =	sor.u32 s3, s0;
	s1 =	sshll.u32 s1, $0x11  }
0xbd: {  	s0 =	sor.u32 s1, s0  }
0xbe: {  	s0 =	sadd.s32 $0x8F2B, s0  }
0xbf: {  	[sflag:s0] =	ssyncadd.remote.s32 $0x1  }
0xc0: {  	_ =	sfence.sel $0xFFFF  }
0xc1: {  	[dreg:$0x0] =	wrdreg $0xFFFFFFFF;
	(pc) =	sbr.abs _section_cstart, $3  }
0xc2: {  	[dreg:$0x1] =	wrdreg $0xFFFFFFFF  }
0xc3: {  	_ =	task.clear_ibuf [dreg:s7], $0x2FFFF;
	_ =	strace $0x9FFFFFFF  }
0xc4: {  	(tm) =	ssettm $0x7FFFFFFF  }
0xc5: {  	_ =	shalt  }
tec
execute0_lowered:
.L_overlay_start_1:
0x0: {  	(tag) =	ssettag $0x1  }
0x1: {  	s1 =	rddreg [dreg:$0x0]  }
0x2: {  	s0 =	rddreg [dreg:$0x1]  }
0x3: {  	s3 =	rddreg [dreg:$0x2]  }
0x4: {  	s4 =	rddreg [dreg:$0x3]  }
0x5: {  	s2 =	srdreg.scid;
	s14 =	stileid.u32  }
0x6: {  	s5 =	simm.s32 $0x0;
	s28 =	simm.s32 $0x14100;
	s29 =	simm.s32 $0x70  }
0x7: {  	s30 =	simm.s32 $0x14080;
	s31 =	simm.s32 $0x14180;
	s10 =	smul.u32 $0xA000, s14  }
0x8: {  	s2 =	sand.u32 $0x1, s2;
	[smem:$0x7FF] =	sst s5;
	s18 =	smul.u32 $0x2760, s14  }
0x9: {  	s6 =	sadd.s32 $0x2200, s0;
	s7 =	smul.u32 $0xA0000, s2;
	_ =	strace $0x80000047  }
0xa: {  	s9 =	ssub.s32 $0x2, s2;
	s16 =	sshll.u32 s2, $0x4;
	s2 =	smul.u32 $0x27600, s2  }
0xb: {  	s11 =	sshrl.u32 s9, $0x1;
	s12 =	sor.u32 s14, s16;
	s13 =	sadd.s32 $0x3800, s10  }
0xc: {  	s8 =	sadd.s32 s10, s7;
	s7 =	sadd.s32 $0xC000, s0;
	s11 =	ssub.s32 s9, s11  }
0xd: {  	s9 =	sadd.s32 s10, s4;
	s15 =	sadd.s32 s13, s3;
	s12 =	smul.u32 $0x2760, s12  }
0xe: {  	s13 =	sadd.s32 s13, s4;
	s22 =	sadd.s32 s18, s2;
	[dreg:$0x5] =	wrdreg s15  }
0xf: {  	s2 =	simm.s32 $0x1;
	s8 =	sshrl.u32 s8, $0x3;
	[dreg:$0x6] =	wrdreg s13  }
0x10: {  	s23 =	smax.u32 s11, $0x1;
	s25 =	sadd.s32 $0x70, s22;
	s11 =	simm.s32 $0x2  }
0x11: {  	s0 =	sadd.s32 s8, s0;
	s8 =	sadd.s32 s10, s3;
	s10 =	sadd.s32 $0x7000, s10  }
0x12: {  	s12 =	sshrl.u32 s12, $0x3;
	[dreg:$0xd] =	wrdreg s23;
	s17 =	sadd.s32 s10, s3  }
0x13: {  	s26 =	sshrl.u32 s25, $0x3;
	s10 =	sadd.s32 s10, s4;
	[dreg:$0x7] =	wrdreg s17  }
0x14: {  	s25 =	simm.s32 $0x3;
	s19 =	sadd.s32 s6, s12;
	[dreg:$0x8] =	wrdreg s10  }
0x15: {  	s20 =	sadd.s32 s7, s12;
	s21 =	sadd.s32 $0x15E00, s0;
	[dreg:$0x9] =	wrdreg s19  }
0x16: {  	s0 =	sadd.s32 $0x3DE00, s0;
	s24 =	sadd.s32 $0x4DE, s12;
	[dreg:$0xa] =	wrdreg s20  }
0x17: {  	s23 =	sadd.s32 s26, s6;
	s12 =	simm.s32 $0x0;
	[dreg:$0xb] =	wrdreg s21  }
0x18: {  	[dreg:$0xc] =	wrdreg s0;
	s19 =	sadd.s32 s6, s24;
	s20 =	sadd.s32 s7, s24  }
0x19: {  	s21 =	sadd.s32 $0xE0, s22;
	s22 =	sadd.s32 s26, s7;
	s24 =	simm.s32 $0x14200  }
0x1a: {  	v0 =	vimm.f32 $0.0e+00;
	v1 =	vimm.f32 $1.000000000e+00;
	s26 =	simm.s32 $0x14000;
	s0 =	simm.s32 $0x17A00;
	s10 =	simm.s32 $0x1B200  }
.LBB2_1:
0x1b: {  	s13 =	simm.s32 $0x0;
	s14 =	simm.s32 $0x200  }
.LBB2_2:
0x1c: {  	p0 =	sne.s32 s14, $0xDE00;
	[tilespmem:s13+$0x1B270] =	vst v1  }
0x1d: {  	[tilespmem:s13+$0x14200] =	vst v0  }
0x1e: {  	[tilespmem:s13+$0x1B200] =	vst v1  }
0x1f: {  	[tilespmem:s13+$0x14210] =	vst v0  }
0x20: {  	[tilespmem:s13+$0x1B210] =	vst v1  }
0x21: {  	[tilespmem:s13+$0x14220] =	vst v0  }
0x22: {  	[tilespmem:s13+$0x1B220] =	vst v1  }
0x23: {  	[tilespmem:s13+$0x14230] =	vst v0  }
0x24: {  	[tilespmem:s13+$0x1B230] =	vst v1  }
0x25: {  	[tilespmem:s13+$0x14240] =	vst v0  }
0x26: {  	[tilespmem:s13+$0x1B240] =	vst v1  }
.Ltmp0:
0x27: {  	[tilespmem:s13+$0x14250] =	vst v0;
	(pc) =	sbr.rel @p0 .LBB2_2-.Ltmp0, $4  }
0x28: {  	[tilespmem:s13+$0x1B250] =	vst v1  }
0x29: {  	[tilespmem:s13+$0x14260] =	vst v0  }
0x2a: {  	[tilespmem:s13+$0x1B260] =	vst v1  }
0x2b: {  	[tilespmem:s13+$0x14270] =	vst v0;
	s13 =	sshra.s32 s14, $0x2;
	s14 =	sadd.s32 $0x200, s14  }
0x2c: {  	[tilespmem:s13+$0x1B270] =	vst v1  }
0x2d: {  	[tilespmem:s13+$0x14200] =	vst v0  }
0x2e: {  	[tilespmem:s13+$0x1B200] =	vst v1  }
0x2f: {  	[tilespmem:s13+$0x14210] =	vst v0  }
0x30: {  	[tilespmem:s13+$0x1B210] =	vst v1  }
0x31: {  	[tilespmem:s13+$0x14220] =	vst v0  }
0x32: {  	[tilespmem:s13+$0x1B220] =	vst v1  }
0x33: {  	[tilespmem:s13+$0x14230] =	vst v0  }
0x34: {  	[tilespmem:s13+$0x1B230] =	vst v1  }
0x35: {  	[tilespmem:s13+$0x14240] =	vst v0  }
0x36: {  	[tilespmem:s13+$0x1B240] =	vst v1  }
0x37: {  	[tilespmem:s13+$0x14250] =	vst v0  }
0x38: {  	[tilespmem:s13+$0x1B250] =	vst v1  }
0x39: {  	[tilespmem:s13+$0x14260] =	vst v0  }
0x3a: {  	[tilespmem:s13+$0x1B260] =	vst v1  }
0x3b: {  	[tilespmem:s13+$0x14270] =	vst v0  }
0x3c: {  	[spmem:s8] =	stream.linear.scatter [tilespmem:s24], [sflag:$0x3], $0x3800, $0x38;
	[tilespmem:$0x1EA00] =	vst v63  }
0x3d: {  	_ =	swait.ge [sflag:s25], $0x3800  }
0x3e: {  	[sflag:s25] =	ssyncset.done $0x0  }
0x3f: {  	[sflag:s25] =	ssyncadd.s32 $0xFFFFC800  }
0x40: {  	[spmem:s9] =	stream.linear.scatter [tilespmem:s24], [sflag:$0x3], $0x3800, $0x38;
	[tilespmem:$0x1EA00] =	vst v63  }
0x41: {  	_ =	swait.ge [sflag:s25], $0x3800  }
0x42: {  	[sflag:s25] =	ssyncset.done $0x0  }
0x43: {  	s18 =	rddreg [dreg:$0x5];
	[sflag:s25] =	ssyncadd.s32 $0xFFFFC800  }
0x44: {  	[spmem:s18] =	stream.linear.scatter [tilespmem:s24], [sflag:$0x3], $0x3800, $0x38;
	[tilespmem:$0x1EA00] =	vst v63  }
0x45: {  	_ =	swait.ge [sflag:s25], $0x3800  }
0x46: {  	[sflag:s25] =	ssyncset.done $0x0  }
0x47: {  	s14 =	rddreg [dreg:$0x6];
	[sflag:s25] =	ssyncadd.s32 $0xFFFFC800  }
0x48: {  	[spmem:s14] =	stream.linear.scatter [tilespmem:s24], [sflag:$0x3], $0x3800, $0x38;
	[tilespmem:$0x1EA00] =	vst v63  }
0x49: {  	_ =	swait.ge [sflag:s25], $0x3800  }
0x4a: {  	[sflag:s25] =	ssyncset.done $0x0  }
0x4b: {  	s15 =	rddreg [dreg:$0x7];
	[sflag:s25] =	ssyncadd.s32 $0xFFFFC800  }
0x4c: {  	[spmem:s15] =	stream.linear.scatter [tilespmem:s24], [sflag:$0x3], $0x3000, $0x38;
	[tilespmem:$0x1EA00] =	vst v63  }
0x4d: {  	_ =	swait.ge [sflag:s25], $0x3000  }
0x4e: {  	[sflag:s25] =	ssyncset.done $0x0  }
0x4f: {  	s16 =	rddreg [dreg:$0x8];
	[sflag:s25] =	ssyncadd.s32 $0xFFFFD000  }
0x50: {  	[spmem:s16] =	stream.linear.scatter [tilespmem:s24], [sflag:$0x3], $0x3000, $0x38;
	[tilespmem:$0x1EA00] =	vst v63  }
0x51: {  	_ =	swait.ge [sflag:s25], $0x3000  }
0x52: {  	[sflag:s25] =	ssyncset.done $0x0  }
0x53: {  	[sflag:s25] =	ssyncadd.s32 $0xFFFFD000  }
0x54: {  	[bflag:$0x0] =	sbarrier.arrive $0xFFFF  }
0x55: {  	s17 =	simm.s32 $0x0;
	s14 =	rddreg [dreg:$0x9]  }
0x56: {  	[tilespmem:s26], [sflag:$0x3] =	stream.linear.gather [hbm4b:s14+s17], $0x70, $0x38;
	[tilespmem:$0x1EA00] =	vst v63  }
0x57: {  	_ =	swait.ge [sflag:s25], $0x70  }
0x58: {  	[sflag:s25] =	ssyncset.done $0x0  }
0x59: {  	s18 =	rddreg [dreg:$0xa];
	[sflag:s25] =	ssyncadd.s32 $0xFFFFFF90  }
0x5a: {  	[tilespmem:s28], [sflag:$0x3] =	stream.linear.gather [hbm4b:s18+s17], $0x70, $0x38;
	[tilespmem:$0x1EA00] =	vst v63  }
0x5b: {  	_ =	swait.ge [sflag:s25], $0x70  }
0x5c: {  	[sflag:s25] =	ssyncset.done $0x0  }
0x5d: {  	[sflag:s25] =	ssyncadd.s32 $0xFFFFFF90  }
0x5e: {  	[tilespmem:s24], [sflag:$0x1] =	stream.indirect.gather [hbm4b:s1+s29], $0x80, s26, s29, $0xb8;
	[tilespmem:$0x1EA00] =	vst v63  }
0x5f: {  	s15 =	sadd.s32 $0x0, s23  }
0x60: {  	[tilespmem:s30], [sflag:$0x3] =	stream.linear.gather [hbm4b:s15+s5], $0x70, $0x38;
	[tilespmem:$0x1EA00] =	vst v63  }
0x61: {  	_ =	swait.ge [sflag:s25], $0x70  }
0x62: {  	[sflag:s25] =	ssyncset.done $0x0  }
0x63: {  	s16 =	sadd.s32 $0x0, s22;
	[sflag:s25] =	ssyncadd.s32 $0xFFFFFF90  }
0x64: {  	[tilespmem:s31], [sflag:$0x3] =	stream.linear.gather [hbm4b:s16+s5], $0x70, $0x38;
	[tilespmem:$0x1EA00] =	vst v63  }
0x65: {  	_ =	swait.ge [sflag:s25], $0x70  }
0x66: {  	[sflag:s25] =	ssyncset.done $0x0  }
0x67: {  	[sflag:s25] =	ssyncadd.s32 $0xFFFFFF90  }
0x68: {  	[tilespmem:s0], [sflag:$0x2] =	stream.indirect.gather [hbm4b:s1+s29], $0x80, s30, s29, $0xb8;
	[tilespmem:$0x1EA00] =	vst v63  }
0x69: {  	_ =	swait.ge [sflag:s2], $0x3800  }
0x6a: {  	[sflag:s2] =	ssyncset.done $0x0  }
0x6b: {  	[sflag:s2] =	ssyncadd.s32 $0xFFFFC800  }
0x6c: {  	[spmem:s3] =	stream.indirect.scatter.add.f32 [tilespmem:s24], [sflag:$0x3], $0x80, s28, s29, $0xb8;
	[tilespmem:$0x1EA00] =	vst v63  }
0x6d: {  	_ =	swait.ge [sflag:s25], $0x3800  }
0x6e: {  	[sflag:s25] =	ssyncset.done $0x0  }
0x6f: {  	[sflag:s25] =	ssyncadd.s32 $0xFFFFC800  }
0x70: {  	[spmem:s4] =	stream.indirect.scatter.add.f32 [tilespmem:s10], [sflag:$0x3], $0x80, s28, s29, $0xb8;
	[tilespmem:$0x1EA00] =	vst v63  }
0x71: {  	_ =	swait.ge [sflag:s25], $0x3800  }
0x72: {  	s17 =	sshrl.u32 s21, $0x3;
	[sflag:s25] =	ssyncset.done $0x0  }
0x73: {  	s18 =	sadd.s32 s6, s17;
	[sflag:s25] =	ssyncadd.s32 $0xFFFFC800  }
0x74: {  	[tilespmem:s26], [sflag:$0x3] =	stream.linear.gather [hbm4b:s18+s5], $0x70, $0x38;
	[tilespmem:$0x1EA00] =	vst v63  }
0x75: {  	_ =	swait.ge [sflag:s25], $0x70  }
0x76: {  	[sflag:s25] =	ssyncset.done $0x0  }
0x77: {  	s13 =	sadd.s32 s7, s17;
	[sflag:s25] =	ssyncadd.s32 $0xFFFFFF90  }
0x78: {  	[tilespmem:s28], [sflag:$0x3] =	stream.linear.gather [hbm4b:s13+s5], $0x70, $0x38;
	[tilespmem:$0x1EA00] =	vst v63  }
0x79: {  	_ =	swait.ge [sflag:s25], $0x70  }
0x7a: {  	[sflag:s25] =	ssyncset.done $0x0  }
0x7b: {  	[sflag:s25] =	ssyncadd.s32 $0xFFFFFF90  }
0x7c: {  	[tilespmem:s24], [sflag:$0x1] =	stream.indirect.gather [hbm4b:s1+s29], $0x80, s26, s29, $0xb8;
	[tilespmem:$0x1EA00] =	vst v63  }
0x7d: {  	_ =	swait.ge [sflag:s11], $0x3800  }
0x7e: {  	[sflag:s11] =	ssyncset.done $0x0  }
0x7f: {  	[sflag:s11] =	ssyncadd.s32 $0xFFFFC800  }
0x80: {  	[spmem:s3] =	stream.indirect.scatter.add.f32 [tilespmem:s0], [sflag:$0x3], $0x80, s31, s29, $0xb8;
	[tilespmem:$0x1EA00] =	vst v63  }
0x81: {  	_ =	swait.ge [sflag:s25], $0x3800  }
0x82: {  	[sflag:s25] =	ssyncset.done $0x0  }
0x83: {  	[sflag:s25] =	ssyncadd.s32 $0xFFFFC800  }
0x84: {  	[spmem:s4] =	stream.indirect.scatter.add.f32 [tilespmem:s10], [sflag:$0x3], $0x80, s31, s29, $0xb8;
	[tilespmem:$0x1EA00] =	vst v63  }
0x85: {  	s14 =	simm.s32 $0x1C;
	_ =	swait.ge [sflag:s25], $0x3800  }
0x86: {  	s15 =	simm.s32 $0x38;
	s13 =	sadd.s32 $0xE0, s21;
	[sflag:s25] =	ssyncset.done $0x0  }
.LBB2_4:
0x87: {  	s17 =	sadd.s32 s14, s23  }
0x88: {  	[sflag:s25] =	ssyncadd.s32 $0xFFFFC800;
	s18 =	smov.u32 s15;
	s16 =	sadd.s32 $0x1C, s15  }
0x89: {  	[tilespmem:s30], [sflag:$0x3] =	stream.linear.gather [hbm4b:s17+s5], $0x70, $0x38;
	[tilespmem:$0x1EA00] =	vst v63  }
0x8a: {  	p0 =	sne.s32 s15, $0x4B4;
	_ =	swait.ge [sflag:s25], $0x70  }
0x8b: {  	[sflag:s25] =	ssyncset.done $0x0  }
0x8c: {  	s15 =	sadd.s32 s14, s22;
	s14 =	smov.u32 s18;
	[sflag:s25] =	ssyncadd.s32 $0xFFFFFF90  }
0x8d: {  	[tilespmem:s31], [sflag:$0x3] =	stream.linear.gather [hbm4b:s15+s5], $0x70, $0x38;
	[tilespmem:$0x1EA00] =	vst v63  }
0x8e: {  	_ =	swait.ge [sflag:s25], $0x70  }
0x8f: {  	[sflag:s25] =	ssyncset.done $0x0  }
0x90: {  	[sflag:s25] =	ssyncadd.s32 $0xFFFFFF90  }
0x91: {  	[tilespmem:s0], [sflag:$0x2] =	stream.indirect.gather [hbm4b:s1+s29], $0x80, s30, s29, $0xb8;
	[tilespmem:$0x1EA00] =	vst v63  }
0x92: {  	_ =	swait.ge [sflag:s2], $0x3800  }
0x93: {  	[sflag:s2] =	ssyncset.done $0x0  }
0x94: {  	[sflag:s2] =	ssyncadd.s32 $0xFFFFC800  }
0x95: {  	[spmem:s3] =	stream.indirect.scatter.add.f32 [tilespmem:s24], [sflag:$0x3], $0x80, s28, s29, $0xb8;
	[tilespmem:$0x1EA00] =	vst v63  }
0x96: {  	_ =	swait.ge [sflag:s25], $0x3800  }
0x97: {  	[sflag:s25] =	ssyncset.done $0x0  }
0x98: {  	[sflag:s25] =	ssyncadd.s32 $0xFFFFC800  }
0x99: {  	[spmem:s4] =	stream.indirect.scatter.add.f32 [tilespmem:s10], [sflag:$0x3], $0x80, s28, s29, $0xb8;
	[tilespmem:$0x1EA00] =	vst v63  }
0x9a: {  	_ =	swait.ge [sflag:s25], $0x3800  }
0x9b: {  	s15 =	sshrl.u32 s13, $0x3;
	[sflag:s25] =	ssyncset.done $0x0  }
0x9c: {  	s17 =	sadd.s32 s6, s15;
	[sflag:s25] =	ssyncadd.s32 $0xFFFFC800  }
0x9d: {  	[tilespmem:s26], [sflag:$0x3] =	stream.linear.gather [hbm4b:s17+s5], $0x70, $0x38;
	[tilespmem:$0x1EA00] =	vst v63  }
0x9e: {  	_ =	swait.ge [sflag:s25], $0x70  }
0x9f: {  	[sflag:s25] =	ssyncset.done $0x0  }
0xa0: {  	s15 =	sadd.s32 s7, s15;
	[sflag:s25] =	ssyncadd.s32 $0xFFFFFF90  }
0xa1: {  	[tilespmem:s28], [sflag:$0x3] =	stream.linear.gather [hbm4b:s15+s5], $0x70, $0x38;
	[tilespmem:$0x1EA00] =	vst v63  }
0xa2: {  	_ =	swait.ge [sflag:s25], $0x70  }
0xa3: {  	[sflag:s25] =	ssyncset.done $0x0  }
0xa4: {  	[sflag:s25] =	ssyncadd.s32 $0xFFFFFF90  }
0xa5: {  	[tilespmem:s24], [sflag:$0x1] =	stream.indirect.gather [hbm4b:s1+s29], $0x80, s26, s29, $0xb8;
	[tilespmem:$0x1EA00] =	vst v63  }
0xa6: {  	_ =	swait.ge [sflag:s11], $0x3800  }
0xa7: {  	[sflag:s11] =	ssyncset.done $0x0  }
0xa8: {  	[sflag:s11] =	ssyncadd.s32 $0xFFFFC800  }
0xa9: {  	[spmem:s3] =	stream.indirect.scatter.add.f32 [tilespmem:s0], [sflag:$0x3], $0x80, s31, s29, $0xb8;
	[tilespmem:$0x1EA00] =	vst v63  }
0xaa: {  	_ =	swait.ge [sflag:s25], $0x3800  }
.Ltmp1:
0xab: {  	[sflag:s25] =	ssyncset.done $0x0;
	(pc) =	sbr.rel @p0 .LBB2_4-.Ltmp1, $4  }
0xac: {  	[sflag:s25] =	ssyncadd.s32 $0xFFFFC800  }
0xad: {  	[spmem:s4] =	stream.indirect.scatter.add.f32 [tilespmem:s10], [sflag:$0x3], $0x80, s31, s29, $0xb8;
	[tilespmem:$0x1EA00] =	vst v63  }
0xae: {  	_ =	swait.ge [sflag:s25], $0x3800  }
0xaf: {  	s13 =	sadd.s32 $0xE0, s13;
	s15 =	smov.u32 s16;
	[sflag:s25] =	ssyncset.done $0x0  }
0xb0: {  	s15 =	sadd.s32 s14, s23;
	[sflag:s25] =	ssyncadd.s32 $0xFFFFC800  }
0xb1: {  	[tilespmem:s30], [sflag:$0x3] =	stream.linear.gather [hbm4b:s15+s5], $0x70, $0x38;
	[tilespmem:$0x1EA00] =	vst v63  }
0xb2: {  	_ =	swait.ge [sflag:s25], $0x70  }
0xb3: {  	[sflag:s25] =	ssyncset.done $0x0  }
0xb4: {  	s18 =	sadd.s32 s14, s22;
	[sflag:s25] =	ssyncadd.s32 $0xFFFFFF90  }
0xb5: {  	[tilespmem:s31], [sflag:$0x3] =	stream.linear.gather [hbm4b:s18+s5], $0x70, $0x38;
	[tilespmem:$0x1EA00] =	vst v63  }
0xb6: {  	_ =	swait.ge [sflag:s25], $0x70  }
0xb7: {  	[sflag:s25] =	ssyncset.done $0x0  }
0xb8: {  	[sflag:s25] =	ssyncadd.s32 $0xFFFFFF90  }
0xb9: {  	[tilespmem:s0], [sflag:$0x2] =	stream.indirect.gather [hbm4b:s1+s29], $0x80, s30, s29, $0xb8;
	[tilespmem:$0x1EA00] =	vst v63  }
0xba: {  	_ =	swait.ge [sflag:s2], $0x3800  }
0xbb: {  	[sflag:s2] =	ssyncset.done $0x0  }
0xbc: {  	[sflag:s2] =	ssyncadd.s32 $0xFFFFC800  }
0xbd: {  	[spmem:s3] =	stream.indirect.scatter.add.f32 [tilespmem:s24], [sflag:$0x3], $0x80, s28, s29, $0xb8;
	[tilespmem:$0x1EA00] =	vst v63  }
0xbe: {  	_ =	swait.ge [sflag:s25], $0x3800  }
0xbf: {  	[sflag:s25] =	ssyncset.done $0x0  }
0xc0: {  	[sflag:s25] =	ssyncadd.s32 $0xFFFFC800  }
0xc1: {  	[spmem:s4] =	stream.indirect.scatter.add.f32 [tilespmem:s10], [sflag:$0x3], $0x80, s28, s29, $0xb8;
	[tilespmem:$0x1EA00] =	vst v63  }
0xc2: {  	_ =	swait.ge [sflag:s25], $0x3800  }
0xc3: {  	s13 =	sshrl.u32 s13, $0x3;
	[sflag:s25] =	ssyncset.done $0x0  }
0xc4: {  	s15 =	sadd.s32 s6, s13;
	[sflag:s25] =	ssyncadd.s32 $0xFFFFC800  }
0xc5: {  	[tilespmem:s26], [sflag:$0x3] =	stream.linear.gather [hbm4b:s15+s5], $0x70, $0x38;
	[tilespmem:$0x1EA00] =	vst v63  }
0xc6: {  	_ =	swait.ge [sflag:s25], $0x70  }
0xc7: {  	[sflag:s25] =	ssyncset.done $0x0  }
0xc8: {  	s13 =	sadd.s32 s7, s13;
	[sflag:s25] =	ssyncadd.s32 $0xFFFFFF90  }
0xc9: {  	[tilespmem:s28], [sflag:$0x3] =	stream.linear.gather [hbm4b:s13+s5], $0x70, $0x38;
	[tilespmem:$0x1EA00] =	vst v63  }
0xca: {  	_ =	swait.ge [sflag:s25], $0x70  }
0xcb: {  	[sflag:s25] =	ssyncset.done $0x0  }
0xcc: {  	[sflag:s25] =	ssyncadd.s32 $0xFFFFFF90  }
0xcd: {  	[tilespmem:s24], [sflag:$0x1] =	stream.indirect.gather [hbm4b:s1+s29], $0x80, s26, s29, $0xb8;
	[tilespmem:$0x1EA00] =	vst v63  }
0xce: {  	_ =	swait.ge [sflag:s11], $0x3800  }
0xcf: {  	[sflag:s11] =	ssyncset.done $0x0  }
0xd0: {  	[sflag:s11] =	ssyncadd.s32 $0xFFFFC800  }
0xd1: {  	[spmem:s3] =	stream.indirect.scatter.add.f32 [tilespmem:s0], [sflag:$0x3], $0x80, s31, s29, $0xb8;
	[tilespmem:$0x1EA00] =	vst v63  }
0xd2: {  	_ =	swait.ge [sflag:s25], $0x3800  }
0xd3: {  	[sflag:s25] =	ssyncset.done $0x0  }
0xd4: {  	[sflag:s25] =	ssyncadd.s32 $0xFFFFC800  }
0xd5: {  	[spmem:s4] =	stream.indirect.scatter.add.f32 [tilespmem:s10], [sflag:$0x3], $0x80, s31, s29, $0xb8;
	[tilespmem:$0x1EA00] =	vst v63  }
0xd6: {  	_ =	swait.ge [sflag:s25], $0x3800  }
0xd7: {  	[sflag:s25] =	ssyncset.done $0x0  }
0xd8: {  	[sflag:s25] =	ssyncadd.s32 $0xFFFFC800  }
0xd9: {  	[tilespmem:s30], [sflag:$0x3] =	stream.linear.gather [hbm4b:s19+s5], $0x70, $0x38;
	[tilespmem:$0x1EA00] =	vst v63  }
0xda: {  	_ =	swait.ge [sflag:s25], $0x70  }
0xdb: {  	[sflag:s25] =	ssyncset.done $0x0  }
0xdc: {  	[sflag:s25] =	ssyncadd.s32 $0xFFFFFF90  }
0xdd: {  	[tilespmem:s31], [sflag:$0x3] =	stream.linear.gather [hbm4b:s20+s5], $0x70, $0x38;
	[tilespmem:$0x1EA00] =	vst v63  }
0xde: {  	_ =	swait.ge [sflag:s25], $0x70  }
0xdf: {  	[sflag:s25] =	ssyncset.done $0x0  }
0xe0: {  	[sflag:s25] =	ssyncadd.s32 $0xFFFFFF90  }
0xe1: {  	[tilespmem:s0], [sflag:$0x2] =	stream.indirect.gather [hbm4b:s1+s29], $0x80, s30, s29, $0xb8;
	[tilespmem:$0x1EA00] =	vst v63  }
0xe2: {  	_ =	swait.ge [sflag:s2], $0x3800  }
0xe3: {  	[sflag:s2] =	ssyncset.done $0x0  }
0xe4: {  	[sflag:s2] =	ssyncadd.s32 $0xFFFFC800  }
0xe5: {  	[spmem:s3] =	stream.indirect.scatter.add.f32 [tilespmem:s24], [sflag:$0x3], $0x80, s28, s29, $0xb8;
	[tilespmem:$0x1EA00] =	vst v63  }
0xe6: {  	_ =	swait.ge [sflag:s25], $0x3800  }
0xe7: {  	[sflag:s25] =	ssyncset.done $0x0  }
0xe8: {  	[sflag:s25] =	ssyncadd.s32 $0xFFFFC800  }
0xe9: {  	[spmem:s4] =	stream.indirect.scatter.add.f32 [tilespmem:s10], [sflag:$0x3], $0x80, s28, s29, $0xb8;
	[tilespmem:$0x1EA00] =	vst v63  }
0xea: {  	_ =	swait.ge [sflag:s25], $0x3800  }
0xeb: {  	[sflag:s25] =	ssyncset.done $0x0  }
0xec: {  	[sflag:s25] =	ssyncadd.s32 $0xFFFFC800  }
0xed: {  	_ =	swait.ge [sflag:s11], $0x3800  }
0xee: {  	[sflag:s11] =	ssyncset.done $0x0  }
0xef: {  	[sflag:s11] =	ssyncadd.s32 $0xFFFFC800  }
0xf0: {  	[spmem:s3] =	stream.indirect.scatter.add.f32 [tilespmem:s0], [sflag:$0x3], $0x80, s31, s29, $0xb8;
	[tilespmem:$0x1EA00] =	vst v63  }
0xf1: {  	_ =	swait.ge [sflag:s25], $0x3800  }
0xf2: {  	[sflag:s25] =	ssyncset.done $0x0  }
0xf3: {  	[sflag:s25] =	ssyncadd.s32 $0xFFFFC800  }
0xf4: {  	[spmem:s4] =	stream.indirect.scatter.add.f32 [tilespmem:s10], [sflag:$0x3], $0x80, s31, s29, $0xb8;
	[tilespmem:$0x1EA00] =	vst v63  }
0xf5: {  	_ =	swait.ge [sflag:s25], $0x3800  }
0xf6: {  	[sflag:s25] =	ssyncset.done $0x0  }
0xf7: {  	s16 =	stileid.u32;
	[sflag:s25] =	ssyncadd.s32 $0xFFFFC800  }
0xf8: {  	s13 =	sshll.u32 s16, $0x6;
	[bflag:$0x0] =	sbarrier.arrive $0xFFFF  }
0xf9: {  	s17 =	sshrl.u32 s8, $0x3;
	s13 =	sor.u32 $0x1C03, s13;
	s18 =	rddreg [dreg:$0xb]  }
0xfa: {  	[hbm:s18], [sflag:s13] =	dma.local [spmem:s17], $0x1400  }
0xfb: {  	_ =	swait.ge [sflag:s25], $0x1400  }
0xfc: {  	[sflag:s25] =	ssyncset.done $0x0  }
0xfd: {  	s16 =	sshrl.u32 s9, $0x3;
	s17 =	rddreg [dreg:$0xc];
	[sflag:s25] =	ssyncadd.s32 $0xFFFFEC00  }
0xfe: {  	[hbm:s17], [sflag:s13] =	dma.local [spmem:s16], $0x1400  }
0xff: {  	_ =	swait.ge [sflag:s25], $0x1400  }
0x100: {  	s12 =	sadd.s32 $0x1, s12;
	s18 =	rddreg [dreg:$0xd]  }
0x101: {  	p0 =	sne.s32 s12, s18  }
.Ltmp2:
0x102: {  	_ = 	snop;
	(pc) =	sbr.rel @p0 .LBB2_1-.Ltmp2, $3  }
0x103: {  	_ =	sdelay $0x1  }
0x104: {  	[sflag:s25] =	ssyncset.done $0x0  }
0x105: {  	[sflag:s25] =	ssyncadd.s32 $0xFFFFEC00  }
0x106: {  	_ =	sfence.sel $0x180000  }
0x107: {  	[bflag:$0x0] =	sbarrier.arrive $0xFFFF  }
0x108: {  	_ =	strace $0x90000047  }
0x109: {  	s0 =	stileid.u32;
	[bflag:$0x2] =	sbarrier.arrive $0xFFFF  }
0x10a: {  	p0 =	sne.s32 s0, $0x0;
	s0 =	rddreg [dreg:$0x4]  }
0x10b: {  	s0 =	sadd.s32 @!p0 $0x100000, s0  }
0x10c: {  	[sflag:s0] =	ssyncadd.tile.s32 @!p0 $0x1;
	_ =	shalt  }
.Lfunc_end2:
_tile_overlayer_lowered:
.L_overlay_start_2:
0x10d: {  	(tag) =	ssettag $0x2  }
0x10e: {  	s0 =	rddreg [dreg:$0x0];
	s2 =	stileid.u32  }
0x10f: {  	s1 =	rddreg [dreg:$0x1];
	p0 =	sne.s32 s2, $0x0  }
0x110: {  	s3 =	rddreg [dreg:$0x2];
	[bflag:$0x3] =	sbarrier.arrive $0xFFFF;
	s2 =	simm.s32 @!p0 $0x1C03  }
0x111: {  	[timem:s3], [sflag:s2] =	dma.local @!p0 [hbm:s0], s1  }
0x112: {  	s0 =	simm.s32 @!p0 $0x3  }
0x113: {  	_ =	swait.ge @!p0 [sflag:s0], s1  }
0x114: {  	s1 =	ssub.s32 @!p0 $0x0, s1;
	[sflag:s0] =	ssyncset.done @!p0 $0x0  }
0x115: {  	[sflag:s0] =	ssyncadd.s32 @!p0 s1  }
0x116: {  	[bflag:$0x3] =	sbarrier.arrive $0xFFFF  }
0x117: {  	_ =	shalt  }

// kernel: kernel.9.cloned.1.call-start
scs
__scs_entry_jumppad:
0x0: {  	(pc) =	sbr.rel $0x88, $3  }
0x1: {  	(tag) =	ssettag $0x0;
	lr =	simm.s32 $0x1  }
0x2: {  	[smem:$0x3F96] =	sst lr;
	_ =	strace $0xD0000000  }
0x3: {  	_ = 	snop  }
0x4: {  	_ = 	snop  }
0x5: {  	_ = 	snop  }
0x6: {  	_ = 	snop  }
0x7: {  	_ = 	snop  }
__scs_overlays_trampoline_lowered:
0x8: {  	[smem:$0x3FA5] =	sst s0  }
0x9: {  	[smem:$0x3FA6] =	sst s1  }
0xa: {  	[smem:$0x3FA7] =	sst s2  }
0xb: {  	[smem:$0x3FA8] =	sst s3  }
0xc: {  	[smem:$0x3FA9] =	sst s4  }
0xd: {  	[smem:$0x3FAA] =	sst s5  }
0xe: {  	[smem:$0x3FAB] =	sst s6  }
0xf: {  	[smem:$0x3FAC] =	sst s7  }
0x10: {  	[smem:$0x3FAD] =	sst s8  }
0x11: {  	[smem:$0x3FAE] =	sst s9;
	s0 =	simm.s32 @!p0 $0x0  }
0x12: {  	s1 =	sld [smem:$0x3F94];
	s0 =	simm.s32 @p0 $0x1  }
0x13: {  	[smem:$0x3FAF] =	sst s0;
	s0 =	simm.s32 @!p1 $0x0  }
0x14: {  	s2 =	sld [smem:$0x3F93];
	s0 =	simm.s32 @p1 $0x1  }
0x15: {  	[smem:$0x3FB0] =	sst s0;
	s0 =	simm.s32 @!p2 $0x0  }
0x16: {  	s3 =	sld [smem:$0x3FDB];
	s0 =	simm.s32 @p2 $0x1  }
0x17: {  	s4 =	simm.s32 $0x1BF5;
	[smem:$0x3FB2] =	sst s0  }
0x18: {  	s0 =	sld [smem:$0x3F95];
	_ =	swait.ge [sflag:s4], $0x0  }
0x19: {  	s7 =	sld [smem:$0x3F96]  }
0x1a: {  	s8 =	sadd.s32 $0xFFFFE003, lr  }
0x1b: {  	s9 =	sadd.s32 $0xFFFFFEF7, lr;
	s5 =	simm.s32 $0xFFFFFFFF;
	p2 =	slt.u32 s8, $0xFFFFF086  }
0x1c: {  	p1 =	slt.u32 s9, $0xF7A;
	s5 =	simm.s32 @!p2 $0x0  }
0x1d: {  	s5 =	simm.s32 @p1 $0x1;
	p0 =	seq.s32 s7, s2  }
0x1e: {  	s7 =	smul.u32 @!p0 $0xF7A, s2;
	p2 =	seq.s32 @!p0 s5, $0x0  }
0x1f: {  	s9 =	smul.u32 $0xF7A, s1;
	s8 =	simm.s32 @!p0 $0x1BF5;
	p2 =	por !p2, p0  }
0x20: {  	[sflag:s8] =	ssyncset.s32 @!p0 $0xFFFFF086;
	s6 =	sadd.s32 @!p0 s3, s7;
	s7 =	simm.s32 @!p0 $0x108  }
0x21: {  	s3 =	sadd.s32 s3, s9;
	s6 =	sadd.s32 @!p0 $0x88, s6;
	s7 =	simm.s32 @p2 $0x1082  }
0x22: {  	[simem:s7], [sflag:s8] =	dma.local @!p0 [hbm:s6], $0xF7A  }
0x23: {  	s9 =	sor.u32 $0xD0000000, s2;
	s6 =	simm.s32 $0x108;
	_ =	swait.ge @!p0 [sflag:s8], $0x0  }
0x24: {  	s3 =	sadd.s32 $0x88, s3;
	s6 =	simm.s32 @!p1 $0x1082;
	[sflag:s4] =	ssyncset.s32 $0xFFFFF086  }
0x25: {  	[simem:s6], [sflag:s4] =	dma.local [hbm:s3], $0xF7A  }
0x26: {  	[smem:$0x3F96] =	sst s1;
	(tag) =	ssettag s2;
	_ =	strace s9  }
0x27: {  	s1 =	sld [smem:$0x3FA6]  }
0x28: {  	s2 =	sld [smem:$0x3FA7]  }
0x29: {  	s4 =	sld [smem:$0x3FA9]  }
0x2a: {  	p0 =	seq.s32 s5, $0x0;
	s5 =	sld [smem:$0x3FAA]  }
0x2b: {  	s6 =	sld [smem:$0x3FAB]  }
0x2c: {  	s7 =	sld [smem:$0x3FAC]  }
0x2d: {  	s3 =	simm.s32 $0x108;
	s8 =	sld [smem:$0x3FAD]  }
0x2e: {  	s3 =	simm.s32 @!p0 $0x1082;
	s9 =	sld [smem:$0x3FAE]  }
0x2f: {  	lr =	sadd.s32 s0, s3;
	s0 =	sld [smem:$0x3FA5]  }
0x30: {  	s3 =	sld [smem:$0x3FA8]  }
0x31: {  	[smem:$0x3FB1] =	sst s10  }
0x32: {  	s10 =	sld [smem:$0x3FAF];
	_ =	sdelay $0x3  }
0x33: {  	p0 =	seq.s32 s10, $0x1;
	s10 =	sld [smem:$0x3FB1];
	_ =	sdelay $0x3  }
0x34: {  	[smem:$0x3FB1] =	sst s10  }
0x35: {  	s10 =	sld [smem:$0x3FB0];
	_ =	sdelay $0x3  }
0x36: {  	p1 =	seq.s32 s10, $0x1;
	s10 =	sld [smem:$0x3FB1];
	_ =	sdelay $0x3  }
0x37: {  	[smem:$0x3FB1] =	sst s10  }
0x38: {  	s10 =	sld [smem:$0x3FB2]  }
0x39: {  	_ = 	snop;
	(pc) =	sbr.ind lr, $3  }
0x3a: {  	_ = 	snop  }
0x3b: {  	_ = 	snop  }
0x3c: {  	p2 =	seq.s32 s10, $0x1;
	s10 =	sld [smem:$0x3FB1]  }
0x3d: {  	_ =	shalt  }
0x3e: {  	_ =	shalt  }
0x3f: {  	_ =	shalt  }
0x40: {  	_ =	shalt  }
0x41: {  	_ =	shalt  }
0x42: {  	_ =	shalt  }
0x43: {  	_ =	shalt  }
0x44: {  	_ =	shalt  }
0x45: {  	_ =	shalt  }
0x46: {  	_ =	shalt  }
0x47: {  	_ =	shalt  }
0x48: {  	_ =	shalt  }
0x49: {  	_ =	shalt  }
0x4a: {  	_ =	shalt  }
0x4b: {  	_ =	shalt  }
0x4c: {  	_ =	shalt  }
0x4d: {  	_ =	shalt  }
0x4e: {  	_ =	shalt  }
0x4f: {  	_ =	shalt  }
0x50: {  	_ =	shalt  }
0x51: {  	_ =	shalt  }
0x52: {  	_ =	shalt  }
0x53: {  	_ =	shalt  }
0x54: {  	_ =	shalt  }
0x55: {  	_ =	shalt  }
0x56: {  	_ =	shalt  }
0x57: {  	_ =	shalt  }
0x58: {  	_ =	shalt  }
0x59: {  	_ =	shalt  }
0x5a: {  	_ =	shalt  }
0x5b: {  	_ =	shalt  }
0x5c: {  	_ =	shalt  }
0x5d: {  	_ =	shalt  }
0x5e: {  	_ =	shalt  }
0x5f: {  	_ =	shalt  }
0x60: {  	_ =	shalt  }
0x61: {  	_ =	shalt  }
0x62: {  	_ =	shalt  }
0x63: {  	_ =	shalt  }
0x64: {  	_ =	shalt  }
0x65: {  	_ =	shalt  }
0x66: {  	_ =	shalt  }
0x67: {  	_ =	shalt  }
0x68: {  	_ =	shalt  }
0x69: {  	_ =	shalt  }
0x6a: {  	_ =	shalt  }
0x6b: {  	_ =	shalt  }
0x6c: {  	_ =	shalt  }
0x6d: {  	_ =	shalt  }
0x6e: {  	_ =	shalt  }
0x6f: {  	_ =	shalt  }
0x70: {  	_ =	shalt  }
0x71: {  	_ =	shalt  }
0x72: {  	_ =	shalt  }
0x73: {  	_ =	shalt  }
0x74: {  	_ =	shalt  }
0x75: {  	_ =	shalt  }
0x76: {  	_ =	shalt  }
0x77: {  	_ =	shalt  }
0x78: {  	_ =	shalt  }
0x79: {  	_ =	shalt  }
0x7a: {  	_ =	shalt  }
0x7b: {  	_ =	shalt  }
0x7c: {  	_ =	shalt  }
0x7d: {  	_ =	shalt  }
0x7e: {  	_ =	shalt  }
0x7f: {  	_ =	shalt  }
0x80: {  	_ =	shalt  }
0x81: {  	_ =	shalt  }
0x82: {  	_ =	shalt  }
0x83: {  	_ =	shalt  }
0x84: {  	_ =	shalt  }
0x85: {  	_ =	shalt  }
0x86: {  	_ =	shalt  }
0x87: {  	_ =	shalt  }
.Lfunc_end0:
.L_simem_size_0:
called_computation.1_lowered:
.L_overlay_start_0:
0x88: {  	s2 =	sld [smem:$0x3FD9]  }
0x89: {  	s3 =	sld [smem:$0x3FFE];
	_ =	sdelay $0x1  }
0x8a: {  	s1 =	srdreg.scid  }
0x8b: {  	s0 =	sand.u32 $0x1, s1  }
0x8c: {  	s16 =	sshll.u32 s0, $0xA;
	s2 =	sadd.s32 s3, s2  }
0x8d: {  	s2 =	sadd.s32 s2, s16  }
0x8e: {  	[smem:$0x3FBD] =	sst s2  }
0x8f: {  	_ = 	snop  }
0x90: {  	(tm) =	ssettm $0x1  }
0x91: {  	s17 =	sld [smem:$0x3FFB];
	_ =	sdelay $0x3  }
0x92: {  	_ =	strace s17  }
0x93: {  	s2 =	sld [smem:$0x3FFC];
	_ =	sdelay $0x3  }
0x94: {  	_ =	strace s2  }
0x95: {  	s2 =	sld [smem:$0x3FFD];
	_ =	sdelay $0x3  }
0x96: {  	_ =	strace s2  }
0x97: {  	_ =	strace $0x8FFFFFFF  }
0x98: {  	s18 =	sld [smem:$0x3FDB];
	_ =	sdelay $0x1  }
0x99: {  	s19 =	simm.s32 $_scs_section_size  }
0x9a: {  	s4 =	simm.s32 $_size__tile_overlayer_lowered;
	s5 =	simm.s32 $_tile_overlayer_lowered  }
0x9b: {  	s22 =	simm.s32 $0x1BFF;
	s21 =	sshll.u32 s5, $0x1;
	s2 =	sadd.s32 s19, s18  }
0x9c: {  	s6 =	simm.s32 $0x0;
	s20 =	sshll.u32 s4, $0x1;
	s4 =	sadd.s32 s21, s2  }
0x9d: {  	[timem:s6], [sflag:s22] =	dma.local [hbm:s4], s20  }
0x9e: {  	_ =	swait.ge [sflag:s22], s20  }
0x9f: {  	s3 =	ssub.s32 $0x0, s20;
	[sflag:s22] =	ssyncset.done $0x0  }
0xa0: {  	[sflag:s22] =	ssyncadd.s32 s3;
	_ =	sdelay $0x1  }
0xa1: {  	s23 =	simm.s32 $0x1B8B  }
0xa2: {  	_ =	swait.ge [sflag:s23], $0x1  }
0xa3: {  	[sflag:s23] =	ssyncset.done $0x0  }
0xa4: {  	s25 =	simm.s32 $0x1B8E;
	s24 =	sld [smem:$0x3FFE];
	[sflag:s23] =	ssyncadd.s32 $0xFFFFFFFF  }
0xa5: {  	s26 =	simm.s32 $execute0_lowered;
	[smem:$0x3FD2] =	sst s25  }
0xa6: {  	s4 =	sshll.u32 s26, $0x1;
	_ =	strace $0x80000049;
	[dreg:$0x1] =	wrdreg $0xFFFFFFFF  }
0xa7: {  	s28 =	simm.s32 $_size_execute0_lowered;
	s2 =	sadd.s32 s2, s4;
	[dreg:$0x0] =	wrdreg $0x0  }
0xa8: {  	s4 =	sshll.u32 s28, $0x1;
	[dreg:$0x2] =	wrdreg s2  }
0xa9: {  	[dreg:$0x3] =	wrdreg s4  }
0xaa: {  	[dreg:$0x4] =	wrdreg $0xC0  }
0xab: {  	_ =	task [dreg:s6], $0x5FFFF  }
0xac: {  	[dreg:$0x1] =	wrdreg $0xFFFFFFFF  }
0xad: {  	[dreg:$0x0] =	wrdreg $0x60  }
0xae: {  	[dreg:$0x2] =	wrdreg s24  }
0xaf: {  	[dreg:$0x3] =	wrdreg $0x0  }
0xb0: {  	[dreg:$0x4] =	wrdreg $0x24000  }
0xb1: {  	[dreg:$0x5] =	wrdreg $0x9  }
0xb2: {  	_ =	task.clear_ibuf [dreg:s6], $0x6FFFF;
	_ =	strace $0x90000049  }
0xb3: {  	s29 =	simm.s32 $0x9;
	_ =	strace $0x8000004B  }
0xb4: {  	_ =	swait.ge [sflag:s29], $0x1  }
0xb5: {  	[sflag:s29] =	ssyncadd.s32 $0xFFFFFFFF  }
0xb6: {  	_ =	strace $0x9000004B  }
0xb7: {  	_ =	sfence  }
0xb8: {  	s30 =	sld [smem:$0x0];
	_ =	sdelay $0x2  }
0xb9: {  	s31 =	sshll.u32 s1, $0xD;
	s1 =	sshrl.u32 s1, $0x2  }
0xba: {  	s3 =	sand.u32 $0x4000, s31;
	s1 =	sadd.s32 s1, s30  }
0xbb: {  	s0 =	sor.u32 s3, s0;
	s1 =	sshll.u32 s1, $0x11  }
0xbc: {  	s0 =	sor.u32 s1, s0  }
0xbd: {  	s0 =	sadd.s32 $0x8F2B, s0  }
0xbe: {  	[sflag:s0] =	ssyncadd.remote.s32 $0x1  }
0xbf: {  	_ =	sfence.sel $0xFFFF  }
0xc0: {  	[dreg:$0x0] =	wrdreg $0xFFFFFFFF;
	(pc) =	sbr.abs _section_cstart, $3  }
0xc1: {  	[dreg:$0x1] =	wrdreg $0xFFFFFFFF  }
0xc2: {  	_ =	task.clear_ibuf [dreg:s6], $0x2FFFF;
	_ =	strace $0x9FFFFFFF  }
0xc3: {  	(tm) =	ssettm $0x7FFFFFFF  }
tec
execute0_lowered:
.L_overlay_start_1:
0x0: {  	(tag) =	ssettag $0x1  }
0x1: {  	s0 =	rddreg [dreg:$0x0]  }
0x2: {  	s1 =	rddreg [dreg:$0x1]  }
0x3: {  	s3 =	rddreg [dreg:$0x2];
	s4 =	simm.s32 $0x0;
	s2 =	srdreg.scid  }
0x4: {  	s13 =	stileid.u32;
	s28 =	simm.s32 $0x8200;
	s29 =	simm.s32 $0x1  }
0x5: {  	s30 =	simm.s32 $0xBA00;
	s31 =	simm.s32 $0x2;
	[smem:$0x7FF] =	sst s4  }
0x6: {  	s2 =	sand.u32 $0x1, s2;
	s9 =	smul.u32 $0x2400, s13;
	s5 =	sadd.s32 $0x2200, s0  }
0x7: {  	s6 =	sadd.s32 $0x65E00, s0;
	s7 =	sadd.s32 $0x6B000, s0;
	s18 =	smul.u32 $0x1420, s13  }
0x8: {  	_ =	strace $0x8000004A;
	s8 =	smul.u32 $0x24000, s2;
	s10 =	sshll.u32 s2, $0x4  }
0x9: {  	s11 =	ssub.s32 $0x2, s2;
	s2 =	smul.u32 $0x14200, s2;
	s10 =	sor.u32 s13, s10  }
0xa: {  	s12 =	sshrl.u32 s11, $0x1;
	s8 =	sadd.s32 s9, s8;
	s10 =	smul.u32 $0x1420, s10  }
0xb: {  	s11 =	ssub.s32 s11, s12;
	s22 =	sadd.s32 s18, s2;
	s8 =	sshrl.u32 s8, $0x3  }
0xc: {  	s23 =	smax.u32 s11, $0x1;
	s25 =	sadd.s32 $0x70, s22;
	s17 =	sadd.s32 $0xE0, s22  }
0xd: {  	s22 =	simm.s32 $0x4800;
	s0 =	sadd.s32 s8, s0;
	s8 =	sadd.s32 s9, s1  }
0xe: {  	s10 =	sshrl.u32 s10, $0x3;
	s9 =	sadd.s32 s9, s3;
	[dreg:$0x8] =	wrdreg s23  }
0xf: {  	s26 =	sshrl.u32 s25, $0x3;
	s23 =	simm.s32 $0x4900;
	s19 =	sadd.s32 s6, s10  }
0x10: {  	s25 =	simm.s32 $0x4880;
	s20 =	sadd.s32 s7, s10;
	[dreg:$0x4] =	wrdreg s19  }
0x11: {  	s21 =	sadd.s32 $0x15C00, s0;
	s0 =	sadd.s32 $0x1EC00, s0;
	[dreg:$0x5] =	wrdreg s20  }
0x12: {  	s24 =	sadd.s32 $0x276, s10;
	s18 =	sadd.s32 s26, s7;
	[dreg:$0x6] =	wrdreg s21  }
0x13: {  	[dreg:$0x7] =	wrdreg s0;
	s15 =	sadd.s32 s6, s24;
	s16 =	sadd.s32 s7, s24  }
0x14: {  	s19 =	sadd.s32 s26, s6;
	s20 =	simm.s32 $0x4A00;
	s21 =	simm.s32 $0x3  }
0x15: {  	v0 =	vimm.f32 $0.0e+00;
	v1 =	vimm.f32 $1.000000000e+00;
	s24 =	simm.s32 $0x70;
	s26 =	simm.s32 $0x4980;
	s0 =	simm.s32 $0x0  }
.LBB2_1:
0x16: {  	s2 =	simm.s32 $0x0;
	s10 =	simm.s32 $0x200  }
.LBB2_2:
0x17: {  	p0 =	sne.s32 s10, $0xDE00;
	[tilespmem:s2+$0xBA70] =	vst v1  }
0x18: {  	[tilespmem:s2+$0x4A00] =	vst v0  }
0x19: {  	[tilespmem:s2+$0xBA00] =	vst v1  }
0x1a: {  	[tilespmem:s2+$0x4A10] =	vst v0  }
0x1b: {  	[tilespmem:s2+$0xBA10] =	vst v1  }
0x1c: {  	[tilespmem:s2+$0x4A20] =	vst v0  }
0x1d: {  	[tilespmem:s2+$0xBA20] =	vst v1  }
0x1e: {  	[tilespmem:s2+$0x4A30] =	vst v0  }
0x1f: {  	[tilespmem:s2+$0xBA30] =	vst v1  }
0x20: {  	[tilespmem:s2+$0x4A40] =	vst v0  }
0x21: {  	[tilespmem:s2+$0xBA40] =	vst v1  }
.Ltmp0:
0x22: {  	[tilespmem:s2+$0x4A50] =	vst v0;
	(pc) =	sbr.rel @p0 .LBB2_2-.Ltmp0, $4  }
0x23: {  	[tilespmem:s2+$0xBA50] =	vst v1  }
0x24: {  	[tilespmem:s2+$0x4A60] =	vst v0  }
0x25: {  	[tilespmem:s2+$0xBA60] =	vst v1  }
0x26: {  	[tilespmem:s2+$0x4A70] =	vst v0;
	s2 =	sshra.s32 s10, $0x2;
	s10 =	sadd.s32 $0x200, s10  }
0x27: {  	[tilespmem:s2+$0xBA70] =	vst v1  }
0x28: {  	[tilespmem:s2+$0x4A00] =	vst v0  }
0x29: {  	[tilespmem:s2+$0xBA00] =	vst v1  }
0x2a: {  	[tilespmem:s2+$0x4A10] =	vst v0  }
0x2b: {  	[tilespmem:s2+$0xBA10] =	vst v1  }
0x2c: {  	[tilespmem:s2+$0x4A20] =	vst v0  }
0x2d: {  	[tilespmem:s2+$0xBA20] =	vst v1  }
0x2e: {  	[tilespmem:s2+$0x4A30] =	vst v0  }
0x2f: {  	[tilespmem:s2+$0xBA30] =	vst v1  }
0x30: {  	[tilespmem:s2+$0x4A40] =	vst v0  }
0x31: {  	[tilespmem:s2+$0xBA40] =	vst v1  }
0x32: {  	[tilespmem:s2+$0x4A50] =	vst v0  }
0x33: {  	[tilespmem:s2+$0xBA50] =	vst v1  }
0x34: {  	[tilespmem:s2+$0x4A60] =	vst v0  }
0x35: {  	[tilespmem:s2+$0xBA60] =	vst v1  }
0x36: {  	[tilespmem:s2+$0x4A70] =	vst v0  }
0x37: {  	[spmem:s8] =	stream.linear.scatter [tilespmem:s20], [sflag:$0x3], $0x2400, $0x38;
	[tilespmem:$0xF200] =	vst v63  }
0x38: {  	_ =	swait.ge [sflag:s21], $0x2400  }
0x39: {  	[sflag:s21] =	ssyncset.done $0x0  }
0x3a: {  	[sflag:s21] =	ssyncadd.s32 $0xFFFFDC00  }
0x3b: {  	[spmem:s9] =	stream.linear.scatter [tilespmem:s20], [sflag:$0x3], $0x2400, $0x38;
	[tilespmem:$0xF200] =	vst v63  }
0x3c: {  	_ =	swait.ge [sflag:s21], $0x2400  }
0x3d: {  	[sflag:s21] =	ssyncset.done $0x0  }
0x3e: {  	[sflag:s21] =	ssyncadd.s32 $0xFFFFDC00  }
0x3f: {  	[bflag:$0x0] =	sbarrier.arrive $0xFFFF  }
0x40: {  	s13 =	simm.s32 $0x0;
	s10 =	rddreg [dreg:$0x4]  }
0x41: {  	[tilespmem:s22], [sflag:$0x3] =	stream.linear.gather [hbm4b:s10+s13], $0x70, $0x38;
	[tilespmem:$0xF200] =	vst v63  }
0x42: {  	_ =	swait.ge [sflag:s21], $0x70  }
0x43: {  	[sflag:s21] =	ssyncset.done $0x0  }
0x44: {  	s14 =	rddreg [dreg:$0x5];
	[sflag:s21] =	ssyncadd.s32 $0xFFFFFF90  }
0x45: {  	[tilespmem:s23], [sflag:$0x3] =	stream.linear.gather [hbm4b:s14+s13], $0x70, $0x38;
	[tilespmem:$0xF200] =	vst v63  }
0x46: {  	_ =	swait.ge [sflag:s21], $0x70  }
0x47: {  	[sflag:s21] =	ssyncset.done $0x0  }
0x48: {  	[sflag:s21] =	ssyncadd.s32 $0xFFFFFF90  }
0x49: {  	[tilespmem:s20], [sflag:$0x1] =	stream.indirect.gather [hbm4b:s5+s24], $0x80, s22, s24, $0xb8;
	[tilespmem:$0xF200] =	vst v63  }
0x4a: {  	s11 =	sadd.s32 $0x0, s19  }
0x4b: {  	[tilespmem:s25], [sflag:$0x3] =	stream.linear.gather [hbm4b:s11+s4], $0x70, $0x38;
	[tilespmem:$0xF200] =	vst v63  }
0x4c: {  	_ =	swait.ge [sflag:s21], $0x70  }
0x4d: {  	[sflag:s21] =	ssyncset.done $0x0  }
0x4e: {  	s12 =	sadd.s32 $0x0, s18;
	[sflag:s21] =	ssyncadd.s32 $0xFFFFFF90  }
0x4f: {  	[tilespmem:s26], [sflag:$0x3] =	stream.linear.gather [hbm4b:s12+s4], $0x70, $0x38;
	[tilespmem:$0xF200] =	vst v63  }
0x50: {  	_ =	swait.ge [sflag:s21], $0x70  }
0x51: {  	[sflag:s21] =	ssyncset.done $0x0  }
0x52: {  	[sflag:s21] =	ssyncadd.s32 $0xFFFFFF90  }
0x53: {  	[tilespmem:s28], [sflag:$0x2] =	stream.indirect.gather [hbm4b:s5+s24], $0x80, s25, s24, $0xb8;
	[tilespmem:$0xF200] =	vst v63  }
0x54: {  	_ =	swait.ge [sflag:s29], $0x3800  }
0x55: {  	[sflag:s29] =	ssyncset.done $0x0  }
0x56: {  	[sflag:s29] =	ssyncadd.s32 $0xFFFFC800  }
0x57: {  	[spmem:s1] =	stream.indirect.scatter.add.f32 [tilespmem:s20], [sflag:$0x3], $0x80, s23, s24, $0xb8;
	[tilespmem:$0xF200] =	vst v63  }
0x58: {  	_ =	swait.ge [sflag:s21], $0x3800  }
0x59: {  	[sflag:s21] =	ssyncset.done $0x0  }
0x5a: {  	[sflag:s21] =	ssyncadd.s32 $0xFFFFC800  }
0x5b: {  	[spmem:s3] =	stream.indirect.scatter.add.f32 [tilespmem:s30], [sflag:$0x3], $0x80, s23, s24, $0xb8;
	[tilespmem:$0xF200] =	vst v63  }
0x5c: {  	_ =	swait.ge [sflag:s21], $0x3800  }
0x5d: {  	s13 =	sshrl.u32 s17, $0x3;
	[sflag:s21] =	ssyncset.done $0x0  }
0x5e: {  	s14 =	sadd.s32 s6, s13;
	[sflag:s21] =	ssyncadd.s32 $0xFFFFC800  }
0x5f: {  	[tilespmem:s22], [sflag:$0x3] =	stream.linear.gather [hbm4b:s14+s4], $0x70, $0x38;
	[tilespmem:$0xF200] =	vst v63  }
0x60: {  	_ =	swait.ge [sflag:s21], $0x70  }
0x61: {  	[sflag:s21] =	ssyncset.done $0x0  }
0x62: {  	s2 =	sadd.s32 s7, s13;
	[sflag:s21] =	ssyncadd.s32 $0xFFFFFF90  }
0x63: {  	[tilespmem:s23], [sflag:$0x3] =	stream.linear.gather [hbm4b:s2+s4], $0x70, $0x38;
	[tilespmem:$0xF200] =	vst v63  }
0x64: {  	_ =	swait.ge [sflag:s21], $0x70  }
0x65: {  	[sflag:s21] =	ssyncset.done $0x0  }
0x66: {  	[sflag:s21] =	ssyncadd.s32 $0xFFFFFF90  }
0x67: {  	[tilespmem:s20], [sflag:$0x1] =	stream.indirect.gather [hbm4b:s5+s24], $0x80, s22, s24, $0xb8;
	[tilespmem:$0xF200] =	vst v63  }
0x68: {  	_ =	swait.ge [sflag:s31], $0x3800  }
0x69: {  	[sflag:s31] =	ssyncset.done $0x0  }
0x6a: {  	[sflag:s31] =	ssyncadd.s32 $0xFFFFC800  }
0x6b: {  	[spmem:s1] =	stream.indirect.scatter.add.f32 [tilespmem:s28], [sflag:$0x3], $0x80, s26, s24, $0xb8;
	[tilespmem:$0xF200] =	vst v63  }
0x6c: {  	_ =	swait.ge [sflag:s21], $0x3800  }
0x6d: {  	[sflag:s21] =	ssyncset.done $0x0  }
0x6e: {  	[sflag:s21] =	ssyncadd.s32 $0xFFFFC800  }
0x6f: {  	[spmem:s3] =	stream.indirect.scatter.add.f32 [tilespmem:s30], [sflag:$0x3], $0x80, s26, s24, $0xb8;
	[tilespmem:$0xF200] =	vst v63  }
0x70: {  	s10 =	simm.s32 $0x1C;
	_ =	swait.ge [sflag:s21], $0x3800  }
0x71: {  	s11 =	simm.s32 $0x38;
	s2 =	sadd.s32 $0xE0, s17;
	[sflag:s21] =	ssyncset.done $0x0  }
.LBB2_4:
0x72: {  	s13 =	sadd.s32 s10, s19  }
0x73: {  	[sflag:s21] =	ssyncadd.s32 $0xFFFFC800;
	s14 =	smov.u32 s11;
	s12 =	sadd.s32 $0x1C, s11  }
0x74: {  	[tilespmem:s25], [sflag:$0x3] =	stream.linear.gather [hbm4b:s13+s4], $0x70, $0x38;
	[tilespmem:$0xF200] =	vst v63  }
0x75: {  	p0 =	sne.s32 s11, $0x24C;
	_ =	swait.ge [sflag:s21], $0x70  }
0x76: {  	[sflag:s21] =	ssyncset.done $0x0  }
0x77: {  	s11 =	sadd.s32 s10, s18;
	s10 =	smov.u32 s14;
	[sflag:s21] =	ssyncadd.s32 $0xFFFFFF90  }
0x78: {  	[tilespmem:s26], [sflag:$0x3] =	stream.linear.gather [hbm4b:s11+s4], $0x70, $0x38;
	[tilespmem:$0xF200] =	vst v63  }
0x79: {  	_ =	swait.ge [sflag:s21], $0x70  }
0x7a: {  	[sflag:s21] =	ssyncset.done $0x0  }
0x7b: {  	[sflag:s21] =	ssyncadd.s32 $0xFFFFFF90  }
0x7c: {  	[tilespmem:s28], [sflag:$0x2] =	stream.indirect.gather [hbm4b:s5+s24], $0x80, s25, s24, $0xb8;
	[tilespmem:$0xF200] =	vst v63  }
0x7d: {  	_ =	swait.ge [sflag:s29], $0x3800  }
0x7e: {  	[sflag:s29] =	ssyncset.done $0x0  }
0x7f: {  	[sflag:s29] =	ssyncadd.s32 $0xFFFFC800  }
0x80: {  	[spmem:s1] =	stream.indirect.scatter.add.f32 [tilespmem:s20], [sflag:$0x3], $0x80, s23, s24, $0xb8;
	[tilespmem:$0xF200] =	vst v63  }
0x81: {  	_ =	swait.ge [sflag:s21], $0x3800  }
0x82: {  	[sflag:s21] =	ssyncset.done $0x0  }
0x83: {  	[sflag:s21] =	ssyncadd.s32 $0xFFFFC800  }
0x84: {  	[spmem:s3] =	stream.indirect.scatter.add.f32 [tilespmem:s30], [sflag:$0x3], $0x80, s23, s24, $0xb8;
	[tilespmem:$0xF200] =	vst v63  }
0x85: {  	_ =	swait.ge [sflag:s21], $0x3800  }
0x86: {  	s11 =	sshrl.u32 s2, $0x3;
	[sflag:s21] =	ssyncset.done $0x0  }
0x87: {  	s13 =	sadd.s32 s6, s11;
	[sflag:s21] =	ssyncadd.s32 $0xFFFFC800  }
0x88: {  	[tilespmem:s22], [sflag:$0x3] =	stream.linear.gather [hbm4b:s13+s4], $0x70, $0x38;
	[tilespmem:$0xF200] =	vst v63  }
0x89: {  	_ =	swait.ge [sflag:s21], $0x70  }
0x8a: {  	[sflag:s21] =	ssyncset.done $0x0  }
0x8b: {  	s11 =	sadd.s32 s7, s11;
	[sflag:s21] =	ssyncadd.s32 $0xFFFFFF90  }
0x8c: {  	[tilespmem:s23], [sflag:$0x3] =	stream.linear.gather [hbm4b:s11+s4], $0x70, $0x38;
	[tilespmem:$0xF200] =	vst v63  }
0x8d: {  	_ =	swait.ge [sflag:s21], $0x70  }
0x8e: {  	[sflag:s21] =	ssyncset.done $0x0  }
0x8f: {  	[sflag:s21] =	ssyncadd.s32 $0xFFFFFF90  }
0x90: {  	[tilespmem:s20], [sflag:$0x1] =	stream.indirect.gather [hbm4b:s5+s24], $0x80, s22, s24, $0xb8;
	[tilespmem:$0xF200] =	vst v63  }
0x91: {  	_ =	swait.ge [sflag:s31], $0x3800  }
0x92: {  	[sflag:s31] =	ssyncset.done $0x0  }
0x93: {  	[sflag:s31] =	ssyncadd.s32 $0xFFFFC800  }
0x94: {  	[spmem:s1] =	stream.indirect.scatter.add.f32 [tilespmem:s28], [sflag:$0x3], $0x80, s26, s24, $0xb8;
	[tilespmem:$0xF200] =	vst v63  }
0x95: {  	_ =	swait.ge [sflag:s21], $0x3800  }
.Ltmp1:
0x96: {  	[sflag:s21] =	ssyncset.done $0x0;
	(pc) =	sbr.rel @p0 .LBB2_4-.Ltmp1, $4  }
0x97: {  	[sflag:s21] =	ssyncadd.s32 $0xFFFFC800  }
0x98: {  	[spmem:s3] =	stream.indirect.scatter.add.f32 [tilespmem:s30], [sflag:$0x3], $0x80, s26, s24, $0xb8;
	[tilespmem:$0xF200] =	vst v63  }
0x99: {  	_ =	swait.ge [sflag:s21], $0x3800  }
0x9a: {  	s2 =	sadd.s32 $0xE0, s2;
	s11 =	smov.u32 s12;
	[sflag:s21] =	ssyncset.done $0x0  }
0x9b: {  	s11 =	sadd.s32 s10, s19;
	[sflag:s21] =	ssyncadd.s32 $0xFFFFC800  }
0x9c: {  	[tilespmem:s25], [sflag:$0x3] =	stream.linear.gather [hbm4b:s11+s4], $0x70, $0x38;
	[tilespmem:$0xF200] =	vst v63  }
0x9d: {  	_ =	swait.ge [sflag:s21], $0x70  }
0x9e: {  	[sflag:s21] =	ssyncset.done $0x0  }
0x9f: {  	s14 =	sadd.s32 s10, s18;
	[sflag:s21] =	ssyncadd.s32 $0xFFFFFF90  }
0xa0: {  	[tilespmem:s26], [sflag:$0x3] =	stream.linear.gather [hbm4b:s14+s4], $0x70, $0x38;
	[tilespmem:$0xF200] =	vst v63  }
0xa1: {  	_ =	swait.ge [sflag:s21], $0x70  }
0xa2: {  	[sflag:s21] =	ssyncset.done $0x0  }
0xa3: {  	[sflag:s21] =	ssyncadd.s32 $0xFFFFFF90  }
0xa4: {  	[tilespmem:s28], [sflag:$0x2] =	stream.indirect.gather [hbm4b:s5+s24], $0x80, s25, s24, $0xb8;
	[tilespmem:$0xF200] =	vst v63  }
0xa5: {  	_ =	swait.ge [sflag:s29], $0x3800  }
0xa6: {  	[sflag:s29] =	ssyncset.done $0x0  }
0xa7: {  	[sflag:s29] =	ssyncadd.s32 $0xFFFFC800  }
0xa8: {  	[spmem:s1] =	stream.indirect.scatter.add.f32 [tilespmem:s20], [sflag:$0x3], $0x80, s23, s24, $0xb8;
	[tilespmem:$0xF200] =	vst v63  }
0xa9: {  	_ =	swait.ge [sflag:s21], $0x3800  }
0xaa: {  	[sflag:s21] =	ssyncset.done $0x0  }
0xab: {  	[sflag:s21] =	ssyncadd.s32 $0xFFFFC800  }
0xac: {  	[spmem:s3] =	stream.indirect.scatter.add.f32 [tilespmem:s30], [sflag:$0x3], $0x80, s23, s24, $0xb8;
	[tilespmem:$0xF200] =	vst v63  }
0xad: {  	_ =	swait.ge [sflag:s21], $0x3800  }
0xae: {  	s2 =	sshrl.u32 s2, $0x3;
	[sflag:s21] =	ssyncset.done $0x0  }
0xaf: {  	s11 =	sadd.s32 s6, s2;
	[sflag:s21] =	ssyncadd.s32 $0xFFFFC800  }
0xb0: {  	[tilespmem:s22], [sflag:$0x3] =	stream.linear.gather [hbm4b:s11+s4], $0x70, $0x38;
	[tilespmem:$0xF200] =	vst v63  }
0xb1: {  	_ =	swait.ge [sflag:s21], $0x70  }
0xb2: {  	[sflag:s21] =	ssyncset.done $0x0  }
0xb3: {  	s2 =	sadd.s32 s7, s2;
	[sflag:s21] =	ssyncadd.s32 $0xFFFFFF90  }
0xb4: {  	[tilespmem:s23], [sflag:$0x3] =	stream.linear.gather [hbm4b:s2+s4], $0x70, $0x38;
	[tilespmem:$0xF200] =	vst v63  }
0xb5: {  	_ =	swait.ge [sflag:s21], $0x70  }
0xb6: {  	[sflag:s21] =	ssyncset.done $0x0  }
0xb7: {  	[sflag:s21] =	ssyncadd.s32 $0xFFFFFF90  }
0xb8: {  	[tilespmem:s20], [sflag:$0x1] =	stream.indirect.gather [hbm4b:s5+s24], $0x80, s22, s24, $0xb8;
	[tilespmem:$0xF200] =	vst v63  }
0xb9: {  	_ =	swait.ge [sflag:s31], $0x3800  }
0xba: {  	[sflag:s31] =	ssyncset.done $0x0  }
0xbb: {  	[sflag:s31] =	ssyncadd.s32 $0xFFFFC800  }
0xbc: {  	[spmem:s1] =	stream.indirect.scatter.add.f32 [tilespmem:s28], [sflag:$0x3], $0x80, s26, s24, $0xb8;
	[tilespmem:$0xF200] =	vst v63  }
0xbd: {  	_ =	swait.ge [sflag:s21], $0x3800  }
0xbe: {  	[sflag:s21] =	ssyncset.done $0x0  }
0xbf: {  	[sflag:s21] =	ssyncadd.s32 $0xFFFFC800  }
0xc0: {  	[spmem:s3] =	stream.indirect.scatter.add.f32 [tilespmem:s30], [sflag:$0x3], $0x80, s26, s24, $0xb8;
	[tilespmem:$0xF200] =	vst v63  }
0xc1: {  	_ =	swait.ge [sflag:s21], $0x3800  }
0xc2: {  	[sflag:s21] =	ssyncset.done $0x0  }
0xc3: {  	[sflag:s21] =	ssyncadd.s32 $0xFFFFC800  }
0xc4: {  	[tilespmem:s25], [sflag:$0x3] =	stream.linear.gather [hbm4b:s15+s4], $0x70, $0x38;
	[tilespmem:$0xF200] =	vst v63  }
0xc5: {  	_ =	swait.ge [sflag:s21], $0x70  }
0xc6: {  	[sflag:s21] =	ssyncset.done $0x0  }
0xc7: {  	[sflag:s21] =	ssyncadd.s32 $0xFFFFFF90  }
0xc8: {  	[tilespmem:s26], [sflag:$0x3] =	stream.linear.gather [hbm4b:s16+s4], $0x70, $0x38;
	[tilespmem:$0xF200] =	vst v63  }
0xc9: {  	_ =	swait.ge [sflag:s21], $0x70  }
0xca: {  	[sflag:s21] =	ssyncset.done $0x0  }
0xcb: {  	[sflag:s21] =	ssyncadd.s32 $0xFFFFFF90  }
0xcc: {  	[tilespmem:s28], [sflag:$0x2] =	stream.indirect.gather [hbm4b:s5+s24], $0x80, s25, s24, $0xb8;
	[tilespmem:$0xF200] =	vst v63  }
0xcd: {  	_ =	swait.ge [sflag:s29], $0x3800  }
0xce: {  	[sflag:s29] =	ssyncset.done $0x0  }
0xcf: {  	[sflag:s29] =	ssyncadd.s32 $0xFFFFC800  }
0xd0: {  	[spmem:s1] =	stream.indirect.scatter.add.f32 [tilespmem:s20], [sflag:$0x3], $0x80, s23, s24, $0xb8;
	[tilespmem:$0xF200] =	vst v63  }
0xd1: {  	_ =	swait.ge [sflag:s21], $0x3800  }
0xd2: {  	[sflag:s21] =	ssyncset.done $0x0  }
0xd3: {  	[sflag:s21] =	ssyncadd.s32 $0xFFFFC800  }
0xd4: {  	[spmem:s3] =	stream.indirect.scatter.add.f32 [tilespmem:s30], [sflag:$0x3], $0x80, s23, s24, $0xb8;
	[tilespmem:$0xF200] =	vst v63  }
0xd5: {  	_ =	swait.ge [sflag:s21], $0x3800  }
0xd6: {  	[sflag:s21] =	ssyncset.done $0x0  }
0xd7: {  	[sflag:s21] =	ssyncadd.s32 $0xFFFFC800  }
0xd8: {  	_ =	swait.ge [sflag:s31], $0x3800  }
0xd9: {  	[sflag:s31] =	ssyncset.done $0x0  }
0xda: {  	[sflag:s31] =	ssyncadd.s32 $0xFFFFC800  }
0xdb: {  	[spmem:s1] =	stream.indirect.scatter.add.f32 [tilespmem:s28], [sflag:$0x3], $0x80, s26, s24, $0xb8;
	[tilespmem:$0xF200] =	vst v63  }
0xdc: {  	_ =	swait.ge [sflag:s21], $0x3800  }
0xdd: {  	[sflag:s21] =	ssyncset.done $0x0  }
0xde: {  	[sflag:s21] =	ssyncadd.s32 $0xFFFFC800  }
0xdf: {  	[spmem:s3] =	stream.indirect.scatter.add.f32 [tilespmem:s30], [sflag:$0x3], $0x80, s26, s24, $0xb8;
	[tilespmem:$0xF200] =	vst v63  }
0xe0: {  	_ =	swait.ge [sflag:s21], $0x3800  }
0xe1: {  	[sflag:s21] =	ssyncset.done $0x0  }
0xe2: {  	s12 =	stileid.u32;
	[sflag:s21] =	ssyncadd.s32 $0xFFFFC800  }
0xe3: {  	s2 =	sshll.u32 s12, $0x6;
	[bflag:$0x0] =	sbarrier.arrive $0xFFFF  }
0xe4: {  	s13 =	sshrl.u32 s8, $0x3;
	s2 =	sor.u32 $0x1C03, s2;
	s14 =	rddreg [dreg:$0x6]  }
0xe5: {  	[hbm:s14], [sflag:s2] =	dma.local [spmem:s13], $0x480  }
0xe6: {  	_ =	swait.ge [sflag:s21], $0x480  }
0xe7: {  	[sflag:s21] =	ssyncset.done $0x0  }
0xe8: {  	s12 =	sshrl.u32 s9, $0x3;
	s13 =	rddreg [dreg:$0x7];
	[sflag:s21] =	ssyncadd.s32 $0xFFFFFB80  }
0xe9: {  	[hbm:s13], [sflag:s2] =	dma.local [spmem:s12], $0x480  }
0xea: {  	_ =	swait.ge [sflag:s21], $0x480  }
0xeb: {  	s0 =	sadd.s32 $0x1, s0;
	s14 =	rddreg [dreg:$0x8]  }
0xec: {  	p0 =	sne.s32 s0, s14  }
.Ltmp2:
0xed: {  	_ = 	snop;
	(pc) =	sbr.rel @p0 .LBB2_1-.Ltmp2, $3  }
0xee: {  	_ =	sdelay $0x1  }
0xef: {  	[sflag:s21] =	ssyncset.done $0x0  }
0xf0: {  	[sflag:s21] =	ssyncadd.s32 $0xFFFFFB80  }
0xf1: {  	_ =	sfence.sel $0x180000  }
0xf2: {  	[bflag:$0x0] =	sbarrier.arrive $0xFFFF  }
0xf3: {  	_ =	strace $0x9000004A  }
0xf4: {  	s0 =	stileid.u32;
	[bflag:$0x2] =	sbarrier.arrive $0xFFFF  }
0xf5: {  	p0 =	sne.s32 s0, $0x0;
	s0 =	rddreg [dreg:$0x3]  }
0xf6: {  	s0 =	sadd.s32 @!p0 $0x100000, s0  }
0xf7: {  	[sflag:s0] =	ssyncadd.tile.s32 @!p0 $0x1;
	_ =	shalt  }
.Lfunc_end2:
_tile_overlayer_lowered:
.L_overlay_start_2:
0xf8: {  	(tag) =	ssettag $0x2  }
0xf9: {  	s0 =	rddreg [dreg:$0x0];
	s2 =	stileid.u32  }
0xfa: {  	s1 =	rddreg [dreg:$0x1];
	p0 =	sne.s32 s2, $0x0  }
0xfb: {  	s3 =	rddreg [dreg:$0x2];
	[bflag:$0x3] =	sbarrier.arrive $0xFFFF;
	s2 =	simm.s32 @!p0 $0x1C03  }
0xfc: {  	[timem:s3], [sflag:s2] =	dma.local @!p0 [hbm:s0], s1  }
0xfd: {  	s0 =	simm.s32 @!p0 $0x3  }
0xfe: {  	_ =	swait.ge @!p0 [sflag:s0], s1  }
0xff: {  	s1 =	ssub.s32 @!p0 $0x0, s1;
	[sflag:s0] =	ssyncset.done @!p0 $0x0  }
0x100: {  	[sflag:s0] =	ssyncadd.s32 @!p0 s1  }
0x101: {  	[bflag:$0x3] =	sbarrier.arrive $0xFFFF  }
0x102: {  	_ =	shalt  }

</sc_bundles>
